<compile_context>
chip_gen: v7x
topology: tpu7x:2x2x1
jax: 0.10.2.dev20260603
libtpu: 0.0.44.dev20260713+nightly
codegen_flags: <defaults>
</compile_context>

<pallas_src>
import functools

import jax
import jax.numpy as jnp
from jax import lax
from jax.experimental import pallas as pl
from jax.experimental.pallas import tpu as pltpu
from jax.experimental.pallas import tpu_sc as plsc

D = 128
NC = 2
NS = 16
NW = NC * NS
CH = 64
NBUF = 4
PF = NBUF - 1


@functools.lru_cache(maxsize=None)
def _make_kernel(rows, cols):
    B = rows * cols
    per_w = B // NW
    n_chunks = per_w // CH
    n_outer = n_chunks // NBUF
    w_per_row = cols // per_w
    mesh = plsc.VectorSubcoreMesh(core_axis_name="c", subcore_axis_name="s")

    @functools.partial(
        pl.kernel,
        mesh=mesh,
        out_type=(
            jax.ShapeDtypeStruct((B, D), jnp.float32),
            jax.ShapeDtypeStruct((B, D), jnp.float32),
        ),
        scratch_types=[
            pltpu.VMEM((per_w,), jnp.int32),
            pltpu.VMEM((NBUF, CH, D), jnp.float32),
            pltpu.VMEM((NBUF, CH, D), jnp.float32),
        ]
        + [pltpu.SemaphoreType.DMA] * (4 * NBUF),
    )
    def body(pos_hbm, cos_hbm, sin_hbm, cos_out, sin_out,
             idx_v, cbuf, sbuf, *sems):
        gcs = sems[0:NBUF]
        gss = sems[NBUF:2 * NBUF]
        ocs = sems[2 * NBUF:3 * NBUF]
        oss = sems[3 * NBUF:4 * NBUF]
        wid = lax.axis_index("s") * NC + lax.axis_index("c")
        prow = wid // w_per_row
        pcol = (wid % w_per_row) * per_w
        pltpu.sync_copy(pos_hbm.at[prow, pl.ds(pcol, per_w)], idx_v)

        def _gather_pair(c, b):
            ix = idx_v.at[pl.ds(c * CH, CH)]
            return ((cos_hbm.at[ix], cbuf.at[b], gcs[b]),
                    (sin_hbm.at[ix], sbuf.at[b], gss[b]))

        def _out_pair(c, b):
            base = wid * per_w + c * CH
            return ((cbuf.at[b], cos_out.at[pl.ds(base, CH)], ocs[b]),
                    (sbuf.at[b], sin_out.at[pl.ds(base, CH)], oss[b]))

        def gather_issue(c, b):
            for args in _gather_pair(c, b):
                pltpu.async_copy(*args)

        def gather_wait(c, b):
            for args in _gather_pair(c, b):
                pltpu.make_async_copy(*args).wait()

        def out_issue(c, b):
            for args in _out_pair(c, b):
                pltpu.async_copy(*args)

        def out_wait(c, b):
            for args in _out_pair(c, b):
                pltpu.make_async_copy(*args).wait()

        for c0 in range(PF):
            gather_issue(c0, c0)

        def step(g, carry):
            for b in range(NBUF):
                c = g * NBUF + b
                b2 = (b + PF) % NBUF
                gather_wait(c, b)
                if b == 0:
                    @pl.when(g >= 1)
                    def _():
                        out_wait(c - 1, b2)
                else:
                    out_wait(c - 1, b2)
                if b == 0:
                    gather_issue(c + PF, b2)
                else:
                    @pl.when(g < n_outer - 1)
                    def _():
                        gather_issue(c + PF, b2)
                out_issue(c, b)
            return carry

        lax.fori_loop(0, n_outer, step, None)
        out_wait(n_chunks - 1, (n_chunks - 1) % NBUF)

    return body


def kernel(positions, cos, sin):
    pos = positions.astype(jnp.int32)
    cos_out, sin_out = _make_kernel(pos.shape[0], pos.shape[1])(pos, cos, sin)
    return (cos_out, sin_out)

# --- scband reference (transcript-rebuilt; emitter-appended) ---
"""Pipeline reference for scband-qwen3-moe-rotary-embedding-36283883716953 (READ-ONLY COPY).

The authoritative reference and input builder live on the scoring server;
editing this copy changes nothing except your own understanding.
"""

import jax, jax.numpy as jnp
import numpy as np

HEAD_SIZE = 128
ROTARY_DIM = 128
MAX_LEN = 8192
BASE = 10000


def compute_full_cos_sin(base, rotary_dim, max_len):
    inv_freq = 1.0 / (base ** (jnp.arange(0, rotary_dim, 2, dtype=jnp.float32) / rotary_dim))
    t = jnp.arange(max_len, dtype=jnp.float32)
    freqs = jnp.einsum('i,j->ij', t, inv_freq)
    emb = jnp.concatenate((freqs, freqs), axis=-1)
    cos = jnp.cos(emb).astype(jnp.float32)
    sin = jnp.sin(emb).astype(jnp.float32)
    return cos, sin


def setup_inputs(seed: int = 0) -> dict:
    key = jax.random.key(seed)
    positions = jax.random.randint(key, (4, 8192), 0, MAX_LEN, dtype=jnp.int64 if jax.config.jax_enable_x64 else jnp.int32)
    cos, sin = compute_full_cos_sin(BASE, ROTARY_DIM, MAX_LEN)
    return {"positions": positions, "cos": cos, "sin": sin}


def reference(positions, cos, sin):
    # Faithful translation of Qwen3MoeRotaryEmbedding.get_cos_sin (no offsets).
    cos_out = jnp.take(cos, positions, axis=0).reshape(-1, cos.shape[-1])
    sin_out = jnp.take(sin, positions, axis=0).reshape(-1, sin.shape[-1])
    return (cos_out, sin_out)

if __name__ == "__main__":
    import jax
    _d = setup_inputs()
    print(jax.jit(kernel)(*tuple(_d.values())))

</pallas_src>

<mosaic_0001>
#map = affine_map<(d0, d1) -> (0, 0)>
module attributes {stable_mosaic.version = 14 : i64} {
  func.func @body(%arg0: i32, %arg1: i32, %arg2: memref<4x8192xi32, #tpu.memory_space<hbm>>, %arg3: memref<8192x128xf32, #tpu.memory_space<hbm>>, %arg4: memref<8192x128xf32, #tpu.memory_space<hbm>>, %arg5: memref<32768x128xf32, #tpu.memory_space<hbm>>, %arg6: memref<32768x128xf32, #tpu.memory_space<hbm>>, %arg7: memref<1024xi32, #tpu.memory_space<vmem>>, %arg8: memref<4x64x128xf32, #tpu.memory_space<vmem>>, %arg9: memref<4x64x128xf32, #tpu.memory_space<vmem>>, %arg10: memref<!tpu.dma_semaphore, #tpu.memory_space<semaphore_mem>>, %arg11: memref<!tpu.dma_semaphore, #tpu.memory_space<semaphore_mem>>, %arg12: memref<!tpu.dma_semaphore, #tpu.memory_space<semaphore_mem>>, %arg13: memref<!tpu.dma_semaphore, #tpu.memory_space<semaphore_mem>>, %arg14: memref<!tpu.dma_semaphore, #tpu.memory_space<semaphore_mem>>, %arg15: memref<!tpu.dma_semaphore, #tpu.memory_space<semaphore_mem>>, %arg16: memref<!tpu.dma_semaphore, #tpu.memory_space<semaphore_mem>>, %arg17: memref<!tpu.dma_semaphore, #tpu.memory_space<semaphore_mem>>, %arg18: memref<!tpu.dma_semaphore, #tpu.memory_space<semaphore_mem>>, %arg19: memref<!tpu.dma_semaphore, #tpu.memory_space<semaphore_mem>>, %arg20: memref<!tpu.dma_semaphore, #tpu.memory_space<semaphore_mem>>, %arg21: memref<!tpu.dma_semaphore, #tpu.memory_space<semaphore_mem>>, %arg22: memref<!tpu.dma_semaphore, #tpu.memory_space<semaphore_mem>>, %arg23: memref<!tpu.dma_semaphore, #tpu.memory_space<semaphore_mem>>, %arg24: memref<!tpu.dma_semaphore, #tpu.memory_space<semaphore_mem>>, %arg25: memref<!tpu.dma_semaphore, #tpu.memory_space<semaphore_mem>>) attributes {dimension_semantics = [#tpu.dimension_semantics<core_parallel>, #tpu.dimension_semantics<subcore_parallel>], iteration_bounds = array<i64: 2, 16>, scalar_prefetch = 0 : i64, scratch_operands = 19 : i64, tpu.core_type = #tpu.core_type<sc_vector_subcore>, window_params = [{transform_indices = #map}, {transform_indices = #map}, {transform_indices = #map}, {transform_indices = #map}, {transform_indices = #map}]} {
    %mul3A = arith.constant 2 : i32
    %mul3A_0 = arith.muli %arg1, %mul3A : i32
    %add3A = arith.addi %mul3A_0, %arg0 : i32
    %jit3A = arith.constant 8 : i32
    %div3A = arith.divsi %add3A, %jit3A : i32
    %sign3A = arith.constant 0 : i32
    %sign3A_1 = arith.cmpi sgt, %add3A, %sign3A : i32
    %sign3A_2 = arith.extui %sign3A_1 : i1 to i32
    %sign3A_3 = arith.constant 0 : i32
    %sign3A_4 = arith.cmpi slt, %add3A, %sign3A_3 : i32
    %sign3A_5 = arith.extui %sign3A_4 : i1 to i32
    %sign3A_6 = arith.subi %sign3A_2, %sign3A_5 : i32
    %sign3A_7 = arith.constant 0 : i32
    %sign3A_8 = arith.cmpi sgt, %jit3A, %sign3A_7 : i32
    %sign3A_9 = arith.extui %sign3A_8 : i1 to i32
    %sign3A_10 = arith.constant 0 : i32
    %sign3A_11 = arith.cmpi slt, %jit3A, %sign3A_10 : i32
    %sign3A_12 = arith.extui %sign3A_11 : i1 to i32
    %sign3A_13 = arith.subi %sign3A_9, %sign3A_12 : i32
    %ne3A = arith.cmpi ne, %sign3A_6, %sign3A_13 : i32
    %rem3A = arith.remsi %add3A, %jit3A : i32
    %ne3A_14 = arith.constant 0 : i32
    %ne3A_15 = arith.cmpi ne, %rem3A, %ne3A_14 : i32
    %and3A = arith.andi %ne3A, %ne3A_15 : i1
    %sub3A = arith.constant 1 : i32
    %sub3A_16 = arith.subi %div3A, %sub3A : i32
    %select_n3A = arith.select %and3A, %sub3A_16, %div3A : i32
    %jit3A_17 = arith.constant 8 : i32
    %eq3A = arith.constant 0 : i32
    %eq3A_18 = arith.cmpi eq, %jit3A_17, %eq3A : i32
    %jit3A_19 = arith.constant 1 : i32
    %select_n3A_20 = arith.select %eq3A_18, %jit3A_19, %jit3A_17 : i32
    %rem3A_21 = arith.remsi %add3A, %select_n3A_20 : i32
    %ne3A_22 = arith.constant 0 : i32
    %ne3A_23 = arith.cmpi ne, %rem3A_21, %ne3A_22 : i32
    %lt3A = arith.constant 0 : i32
    %lt3A_24 = arith.cmpi slt, %rem3A_21, %lt3A : i32
    %lt3A_25 = arith.constant 0 : i32
    %lt3A_26 = arith.cmpi slt, %select_n3A_20, %lt3A_25 : i32
    %ne3A_27 = arith.xori %lt3A_24, %lt3A_26 : i1
    %and3A_28 = arith.andi %ne3A_27, %ne3A_23 : i1
    %add3A_29 = arith.addi %rem3A_21, %select_n3A_20 : i32
    %select_n3A_30 = arith.select %and3A_28, %add3A_29, %rem3A_21 : i32
    %mul3A_31 = arith.constant 1024 : i32
    %mul3A_32 = arith.muli %select_n3A_30, %mul3A_31 : i32
    "tpu.region"() ({
      %run_scoped3A = tpu.sem_alloc : memref<!tpu.dma_semaphore, #tpu.memory_space<semaphore_mem>>
      %dma_start3A_125 = tpu.memref_slice %arg2[%select_n3A, %mul3A_32] : memref<4x8192xi32, #tpu.memory_space<hbm>> -> memref<1x1024xi32, #tpu.memory_space<hbm>>
      %dma_start3A_126 = tpu.memref_squeeze %dma_start3A_125 : memref<1x1024xi32, #tpu.memory_space<hbm>> -> memref<1024xi32, #tpu.memory_space<hbm>>
      %dma_start3A_127 = tpu.memref_slice %arg2[%select_n3A, %mul3A_32] : memref<4x8192xi32, #tpu.memory_space<hbm>> -> memref<1x1024xi32, #tpu.memory_space<hbm>>
      %dma_start3A_128 = tpu.memref_squeeze %dma_start3A_127 : memref<1x1024xi32, #tpu.memory_space<hbm>> -> memref<1024xi32, #tpu.memory_space<hbm>>
      tpu.enqueue_dma source(%dma_start3A_128 : memref<1024xi32, #tpu.memory_space<hbm>>) target(%arg7 : memref<1024xi32, #tpu.memory_space<vmem>>) target_semaphore(%run_scoped3A : memref<!tpu.dma_semaphore, #tpu.memory_space<semaphore_mem>>)
      %dma_wait3A_129 = tpu.memref_slice %arg2[%select_n3A, %mul3A_32] : memref<4x8192xi32, #tpu.memory_space<hbm>> -> memref<1x1024xi32, #tpu.memory_space<hbm>>
      %dma_wait3A_130 = tpu.memref_squeeze %dma_wait3A_129 : memref<1x1024xi32, #tpu.memory_space<hbm>> -> memref<1024xi32, #tpu.memory_space<hbm>>
      %dma_wait3A_131 = tpu.memref_slice %arg2[%select_n3A, %mul3A_32] : memref<4x8192xi32, #tpu.memory_space<hbm>> -> memref<1x1024xi32, #tpu.memory_space<hbm>>
      %dma_wait3A_132 = tpu.memref_squeeze %dma_wait3A_131 : memref<1x1024xi32, #tpu.memory_space<hbm>> -> memref<1024xi32, #tpu.memory_space<hbm>>
      tpu.wait_dma2 semaphore(%run_scoped3A : memref<!tpu.dma_semaphore, #tpu.memory_space<semaphore_mem>>) src(%dma_wait3A_132 : memref<1024xi32, #tpu.memory_space<hbm>>) dst(%arg7 : memref<1024xi32, #tpu.memory_space<vmem>>)
      tpu.yield
    }) : () -> ()
    %dma_start3A = arith.constant 0 : i32
    %dma_start3A_33 = arith.constant 0 : i32
    %dma_start3A_34 = arith.constant 0 : i32
    %dma_start3A_35 = tpu.memref_slice %arg8[%dma_start3A, %dma_start3A_33, %dma_start3A_34] : memref<4x64x128xf32, #tpu.memory_space<vmem>> -> memref<1x64x128xf32, #tpu.memory_space<vmem>>
    %dma_start3A_36 = tpu.memref_squeeze %dma_start3A_35 : memref<1x64x128xf32, #tpu.memory_space<vmem>> -> memref<64x128xf32, #tpu.memory_space<vmem>>
    %dma_start3A_37 = arith.constant 0 : i32
    %dma_start3A_38 = tpu.memref_slice %arg7[%dma_start3A_37] : memref<1024xi32, #tpu.memory_space<vmem>> -> memref<64xi32, #tpu.memory_space<vmem>>
    %dma_start3A_39 = arith.constant 0 : i32
    %dma_start3A_40 = arith.constant 0 : i32
    %dma_start3A_41 = tpu.memref_slice %arg3[%dma_start3A_39, %dma_start3A_40] : memref<8192x128xf32, #tpu.memory_space<hbm>> -> memref<8192x128xf32, #tpu.memory_space<hbm>>
    tpu.enqueue_indirect_dma source(%dma_start3A_41 : memref<8192x128xf32, #tpu.memory_space<hbm>>) target(%dma_start3A_36 : memref<64x128xf32, #tpu.memory_space<vmem>>) offsets(%dma_start3A_38 : memref<64xi32, #tpu.memory_space<vmem>>) semaphore(%arg10 : memref<!tpu.dma_semaphore, #tpu.memory_space<semaphore_mem>>)
    %dma_start3A_42 = arith.constant 0 : i32
    %dma_start3A_43 = arith.constant 0 : i32
    %dma_start3A_44 = arith.constant 0 : i32
    %dma_start3A_45 = tpu.memref_slice %arg9[%dma_start3A_42, %dma_start3A_43, %dma_start3A_44] : memref<4x64x128xf32, #tpu.memory_space<vmem>> -> memref<1x64x128xf32, #tpu.memory_space<vmem>>
    %dma_start3A_46 = tpu.memref_squeeze %dma_start3A_45 : memref<1x64x128xf32, #tpu.memory_space<vmem>> -> memref<64x128xf32, #tpu.memory_space<vmem>>
    %dma_start3A_47 = arith.constant 0 : i32
    %dma_start3A_48 = tpu.memref_slice %arg7[%dma_start3A_47] : memref<1024xi32, #tpu.memory_space<vmem>> -> memref<64xi32, #tpu.memory_space<vmem>>
    %dma_start3A_49 = arith.constant 0 : i32
    %dma_start3A_50 = arith.constant 0 : i32
    %dma_start3A_51 = tpu.memref_slice %arg4[%dma_start3A_49, %dma_start3A_50] : memref<8192x128xf32, #tpu.memory_space<hbm>> -> memref<8192x128xf32, #tpu.memory_space<hbm>>
    tpu.enqueue_indirect_dma source(%dma_start3A_51 : memref<8192x128xf32, #tpu.memory_space<hbm>>) target(%dma_start3A_46 : memref<64x128xf32, #tpu.memory_space<vmem>>) offsets(%dma_start3A_48 : memref<64xi32, #tpu.memory_space<vmem>>) semaphore(%arg14 : memref<!tpu.dma_semaphore, #tpu.memory_space<semaphore_mem>>)
    %dma_start3A_52 = arith.constant 1 : i32
    %dma_start3A_53 = arith.constant 0 : i32
    %dma_start3A_54 = arith.constant 0 : i32
    %dma_start3A_55 = tpu.memref_slice %arg8[%dma_start3A_52, %dma_start3A_53, %dma_start3A_54] : memref<4x64x128xf32, #tpu.memory_space<vmem>> -> memref<1x64x128xf32, #tpu.memory_space<vmem>>
    %dma_start3A_56 = tpu.memref_squeeze %dma_start3A_55 : memref<1x64x128xf32, #tpu.memory_space<vmem>> -> memref<64x128xf32, #tpu.memory_space<vmem>>
    %dma_start3A_57 = arith.constant 64 : i32
    %dma_start3A_58 = tpu.memref_slice %arg7[%dma_start3A_57] : memref<1024xi32, #tpu.memory_space<vmem>> -> memref<64xi32, #tpu.memory_space<vmem>>
    %dma_start3A_59 = arith.constant 0 : i32
    %dma_start3A_60 = arith.constant 0 : i32
    %dma_start3A_61 = tpu.memref_slice %arg3[%dma_start3A_59, %dma_start3A_60] : memref<8192x128xf32, #tpu.memory_space<hbm>> -> memref<8192x128xf32, #tpu.memory_space<hbm>>
    tpu.enqueue_indirect_dma source(%dma_start3A_61 : memref<8192x128xf32, #tpu.memory_space<hbm>>) target(%dma_start3A_56 : memref<64x128xf32, #tpu.memory_space<vmem>>) offsets(%dma_start3A_58 : memref<64xi32, #tpu.memory_space<vmem>>) semaphore(%arg11 : memref<!tpu.dma_semaphore, #tpu.memory_space<semaphore_mem>>)
    %dma_start3A_62 = arith.constant 1 : i32
    %dma_start3A_63 = arith.constant 0 : i32
    %dma_start3A_64 = arith.constant 0 : i32
    %dma_start3A_65 = tpu.memref_slice %arg9[%dma_start3A_62, %dma_start3A_63, %dma_start3A_64] : memref<4x64x128xf32, #tpu.memory_space<vmem>> -> memref<1x64x128xf32, #tpu.memory_space<vmem>>
    %dma_start3A_66 = tpu.memref_squeeze %dma_start3A_65 : memref<1x64x128xf32, #tpu.memory_space<vmem>> -> memref<64x128xf32, #tpu.memory_space<vmem>>
    %dma_start3A_67 = arith.constant 64 : i32
    %dma_start3A_68 = tpu.memref_slice %arg7[%dma_start3A_67] : memref<1024xi32, #tpu.memory_space<vmem>> -> memref<64xi32, #tpu.memory_space<vmem>>
    %dma_start3A_69 = arith.constant 0 : i32
    %dma_start3A_70 = arith.constant 0 : i32
    %dma_start3A_71 = tpu.memref_slice %arg4[%dma_start3A_69, %dma_start3A_70] : memref<8192x128xf32, #tpu.memory_space<hbm>> -> memref<8192x128xf32, #tpu.memory_space<hbm>>
    tpu.enqueue_indirect_dma source(%dma_start3A_71 : memref<8192x128xf32, #tpu.memory_space<hbm>>) target(%dma_start3A_66 : memref<64x128xf32, #tpu.memory_space<vmem>>) offsets(%dma_start3A_68 : memref<64xi32, #tpu.memory_space<vmem>>) semaphore(%arg15 : memref<!tpu.dma_semaphore, #tpu.memory_space<semaphore_mem>>)
    %dma_start3A_72 = arith.constant 2 : i32
    %dma_start3A_73 = arith.constant 0 : i32
    %dma_start3A_74 = arith.constant 0 : i32
    %dma_start3A_75 = tpu.memref_slice %arg8[%dma_start3A_72, %dma_start3A_73, %dma_start3A_74] : memref<4x64x128xf32, #tpu.memory_space<vmem>> -> memref<1x64x128xf32, #tpu.memory_space<vmem>>
    %dma_start3A_76 = tpu.memref_squeeze %dma_start3A_75 : memref<1x64x128xf32, #tpu.memory_space<vmem>> -> memref<64x128xf32, #tpu.memory_space<vmem>>
    %dma_start3A_77 = arith.constant 128 : i32
    %dma_start3A_78 = tpu.memref_slice %arg7[%dma_start3A_77] : memref<1024xi32, #tpu.memory_space<vmem>> -> memref<64xi32, #tpu.memory_space<vmem>>
    %dma_start3A_79 = arith.constant 0 : i32
    %dma_start3A_80 = arith.constant 0 : i32
    %dma_start3A_81 = tpu.memref_slice %arg3[%dma_start3A_79, %dma_start3A_80] : memref<8192x128xf32, #tpu.memory_space<hbm>> -> memref<8192x128xf32, #tpu.memory_space<hbm>>
    tpu.enqueue_indirect_dma source(%dma_start3A_81 : memref<8192x128xf32, #tpu.memory_space<hbm>>) target(%dma_start3A_76 : memref<64x128xf32, #tpu.memory_space<vmem>>) offsets(%dma_start3A_78 : memref<64xi32, #tpu.memory_space<vmem>>) semaphore(%arg12 : memref<!tpu.dma_semaphore, #tpu.memory_space<semaphore_mem>>)
    %dma_start3A_82 = arith.constant 2 : i32
    %dma_start3A_83 = arith.constant 0 : i32
    %dma_start3A_84 = arith.constant 0 : i32
    %dma_start3A_85 = tpu.memref_slice %arg9[%dma_start3A_82, %dma_start3A_83, %dma_start3A_84] : memref<4x64x128xf32, #tpu.memory_space<vmem>> -> memref<1x64x128xf32, #tpu.memory_space<vmem>>
    %dma_start3A_86 = tpu.memref_squeeze %dma_start3A_85 : memref<1x64x128xf32, #tpu.memory_space<vmem>> -> memref<64x128xf32, #tpu.memory_space<vmem>>
    %dma_start3A_87 = arith.constant 128 : i32
    %dma_start3A_88 = tpu.memref_slice %arg7[%dma_start3A_87] : memref<1024xi32, #tpu.memory_space<vmem>> -> memref<64xi32, #tpu.memory_space<vmem>>
    %dma_start3A_89 = arith.constant 0 : i32
    %dma_start3A_90 = arith.constant 0 : i32
    %dma_start3A_91 = tpu.memref_slice %arg4[%dma_start3A_89, %dma_start3A_90] : memref<8192x128xf32, #tpu.memory_space<hbm>> -> memref<8192x128xf32, #tpu.memory_space<hbm>>
    tpu.enqueue_indirect_dma source(%dma_start3A_91 : memref<8192x128xf32, #tpu.memory_space<hbm>>) target(%dma_start3A_86 : memref<64x128xf32, #tpu.memory_space<vmem>>) offsets(%dma_start3A_88 : memref<64xi32, #tpu.memory_space<vmem>>) semaphore(%arg16 : memref<!tpu.dma_semaphore, #tpu.memory_space<semaphore_mem>>)
    %scan3A = arith.constant 0 : i32
    %scan3A_92 = arith.constant 4 : i32
    %scan3A_93 = arith.addi %scan3A, %scan3A_92 : i32
    %scan3A_94 = arith.constant 1 : i32
    scf.for %scan3A_125 = %scan3A to %scan3A_93 step %scan3A_94  : i32 {
      %mul3A_126 = arith.constant 4 : i32
      %mul3A_127 = arith.muli %scan3A_125, %mul3A_126 : i32
      %add3A_128 = arith.constant 0 : i32
      %add3A_129 = arith.addi %mul3A_127, %add3A_128 : i32
      %mul3A_130 = arith.constant 64 : i32
      %mul3A_131 = arith.muli %add3A_129, %mul3A_130 : i32
      %dma_wait3A_132 = arith.constant 0 : i32
      %dma_wait3A_133 = arith.constant 0 : i32
      %dma_wait3A_134 = arith.constant 0 : i32
      %dma_wait3A_135 = tpu.memref_slice %arg8[%dma_wait3A_132, %dma_wait3A_133, %dma_wait3A_134] : memref<4x64x128xf32, #tpu.memory_space<vmem>> -> memref<1x64x128xf32, #tpu.memory_space<vmem>>
      %dma_wait3A_136 = tpu.memref_squeeze %dma_wait3A_135 : memref<1x64x128xf32, #tpu.memory_space<vmem>> -> memref<64x128xf32, #tpu.memory_space<vmem>>
      %dma_wait3A_137 = tpu.memref_slice %arg7[%mul3A_131] : memref<1024xi32, #tpu.memory_space<vmem>> -> memref<64xi32, #tpu.memory_space<vmem>>
      %dma_wait3A_138 = arith.constant 0 : i32
      %dma_wait3A_139 = arith.constant 0 : i32
      %dma_wait3A_140 = tpu.memref_slice %arg3[%dma_wait3A_138, %dma_wait3A_139] : memref<8192x128xf32, #tpu.memory_space<hbm>> -> memref<8192x128xf32, #tpu.memory_space<hbm>>
      tpu.wait_indirect_dma semaphore(%arg10 : memref<!tpu.dma_semaphore, #tpu.memory_space<semaphore_mem>>) src(%dma_wait3A_140 : memref<8192x128xf32, #tpu.memory_space<hbm>>) dst(%dma_wait3A_136 : memref<64x128xf32, #tpu.memory_space<vmem>>)
      %dma_wait3A_141 = arith.constant 0 : i32
      %dma_wait3A_142 = arith.constant 0 : i32
      %dma_wait3A_143 = arith.constant 0 : i32
      %dma_wait3A_144 = tpu.memref_slice %arg9[%dma_wait3A_141, %dma_wait3A_142, %dma_wait3A_143] : memref<4x64x128xf32, #tpu.memory_space<vmem>> -> memref<1x64x128xf32, #tpu.memory_space<vmem>>
      %dma_wait3A_145 = tpu.memref_squeeze %dma_wait3A_144 : memref<1x64x128xf32, #tpu.memory_space<vmem>> -> memref<64x128xf32, #tpu.memory_space<vmem>>
      %dma_wait3A_146 = tpu.memref_slice %arg7[%mul3A_131] : memref<1024xi32, #tpu.memory_space<vmem>> -> memref<64xi32, #tpu.memory_space<vmem>>
      %dma_wait3A_147 = arith.constant 0 : i32
      %dma_wait3A_148 = arith.constant 0 : i32
      %dma_wait3A_149 = tpu.memref_slice %arg4[%dma_wait3A_147, %dma_wait3A_148] : memref<8192x128xf32, #tpu.memory_space<hbm>> -> memref<8192x128xf32, #tpu.memory_space<hbm>>
      tpu.wait_indirect_dma semaphore(%arg14 : memref<!tpu.dma_semaphore, #tpu.memory_space<semaphore_mem>>) src(%dma_wait3A_149 : memref<8192x128xf32, #tpu.memory_space<hbm>>) dst(%dma_wait3A_145 : memref<64x128xf32, #tpu.memory_space<vmem>>)
      %ge3A = arith.constant 1 : i32
      %ge3A_150 = arith.cmpi sge, %scan3A_125, %ge3A : i32
      %convert_element_type3A = arith.extui %ge3A_150 : i1 to i32
      %cond3A = arith.constant 0 : i32
      %cond3A_151 = arith.cmpi ne, %convert_element_type3A, %cond3A : i32
      scf.if %cond3A_151 {
        %sub3A_484 = arith.constant 1 : i32
        %sub3A_485 = arith.subi %add3A_129, %sub3A_484 : i32
        %mul3A_486 = arith.constant 1024 : i32
        %mul3A_487 = arith.muli %add3A, %mul3A_486 : i32
        %mul3A_488 = arith.constant 64 : i32
        %mul3A_489 = arith.muli %sub3A_485, %mul3A_488 : i32
        %add3A_490 = arith.addi %mul3A_487, %mul3A_489 : i32
        %dma_wait3A_491 = arith.constant 3 : i32
        %dma_wait3A_492 = arith.constant 0 : i32
        %dma_wait3A_493 = arith.constant 0 : i32
        %dma_wait3A_494 = tpu.memref_slice %arg8[%dma_wait3A_491, %dma_wait3A_492, %dma_wait3A_493] : memref<4x64x128xf32, #tpu.memory_space<vmem>> -> memref<1x64x128xf32, #tpu.memory_space<vmem>>
        %dma_wait3A_495 = tpu.memref_squeeze %dma_wait3A_494 : memref<1x64x128xf32, #tpu.memory_space<vmem>> -> memref<64x128xf32, #tpu.memory_space<vmem>>
        %dma_wait3A_496 = arith.constant 0 : i32
        %dma_wait3A_497 = tpu.memref_slice %arg5[%add3A_490, %dma_wait3A_496] : memref<32768x128xf32, #tpu.memory_space<hbm>> -> memref<64x128xf32, #tpu.memory_space<hbm>>
        %dma_wait3A_498 = arith.constant 0 : i32
        %dma_wait3A_499 = tpu.memref_slice %arg5[%add3A_490, %dma_wait3A_498] : memref<32768x128xf32, #tpu.memory_space<hbm>> -> memref<64x128xf32, #tpu.memory_space<hbm>>
        %dma_wait3A_500 = arith.constant 0 : i32
        %dma_wait3A_501 = arith.constant 0 : i32
        %dma_wait3A_502 = tpu.memref_slice %arg8[%dma_wait3A_491, %dma_wait3A_500, %dma_wait3A_501] : memref<4x64x128xf32, #tpu.memory_space<vmem>> -> memref<1x64x128xf32, #tpu.memory_space<vmem>>
        %dma_wait3A_503 = tpu.memref_squeeze %dma_wait3A_502 : memref<1x64x128xf32, #tpu.memory_space<vmem>> -> memref<64x128xf32, #tpu.memory_space<vmem>>
        tpu.wait_dma2 semaphore(%arg21 : memref<!tpu.dma_semaphore, #tpu.memory_space<semaphore_mem>>) src(%dma_wait3A_503 : memref<64x128xf32, #tpu.memory_space<vmem>>) dst(%dma_wait3A_499 : memref<64x128xf32, #tpu.memory_space<hbm>>)
        %dma_wait3A_504 = arith.constant 3 : i32
        %dma_wait3A_505 = arith.constant 0 : i32
        %dma_wait3A_506 = arith.constant 0 : i32
        %dma_wait3A_507 = tpu.memref_slice %arg9[%dma_wait3A_504, %dma_wait3A_505, %dma_wait3A_506] : memref<4x64x128xf32, #tpu.memory_space<vmem>> -> memref<1x64x128xf32, #tpu.memory_space<vmem>>
        %dma_wait3A_508 = tpu.memref_squeeze %dma_wait3A_507 : memref<1x64x128xf32, #tpu.memory_space<vmem>> -> memref<64x128xf32, #tpu.memory_space<vmem>>
        %dma_wait3A_509 = arith.constant 0 : i32
        %dma_wait3A_510 = tpu.memref_slice %arg6[%add3A_490, %dma_wait3A_509] : memref<32768x128xf32, #tpu.memory_space<hbm>> -> memref<64x128xf32, #tpu.memory_space<hbm>>
        %dma_wait3A_511 = arith.constant 0 : i32
        %dma_wait3A_512 = tpu.memref_slice %arg6[%add3A_490, %dma_wait3A_511] : memref<32768x128xf32, #tpu.memory_space<hbm>> -> memref<64x128xf32, #tpu.memory_space<hbm>>
        %dma_wait3A_513 = arith.constant 0 : i32
        %dma_wait3A_514 = arith.constant 0 : i32
        %dma_wait3A_515 = tpu.memref_slice %arg9[%dma_wait3A_504, %dma_wait3A_513, %dma_wait3A_514] : memref<4x64x128xf32, #tpu.memory_space<vmem>> -> memref<1x64x128xf32, #tpu.memory_space<vmem>>
        %dma_wait3A_516 = tpu.memref_squeeze %dma_wait3A_515 : memref<1x64x128xf32, #tpu.memory_space<vmem>> -> memref<64x128xf32, #tpu.memory_space<vmem>>
        tpu.wait_dma2 semaphore(%arg25 : memref<!tpu.dma_semaphore, #tpu.memory_space<semaphore_mem>>) src(%dma_wait3A_516 : memref<64x128xf32, #tpu.memory_space<vmem>>) dst(%dma_wait3A_512 : memref<64x128xf32, #tpu.memory_space<hbm>>)
      } else {
      }
      %add3A_152 = arith.constant 3 : i32
      %add3A_153 = arith.addi %add3A_129, %add3A_152 : i32
      %mul3A_154 = arith.constant 64 : i32
      %mul3A_155 = arith.muli %add3A_153, %mul3A_154 : i32
      %dma_start3A_156 = arith.constant 3 : i32
      %dma_start3A_157 = arith.constant 0 : i32
      %dma_start3A_158 = arith.constant 0 : i32
      %dma_start3A_159 = tpu.memref_slice %arg8[%dma_start3A_156, %dma_start3A_157, %dma_start3A_158] : memref<4x64x128xf32, #tpu.memory_space<vmem>> -> memref<1x64x128xf32, #tpu.memory_space<vmem>>
      %dma_start3A_160 = tpu.memref_squeeze %dma_start3A_159 : memref<1x64x128xf32, #tpu.memory_space<vmem>> -> memref<64x128xf32, #tpu.memory_space<vmem>>
      %dma_start3A_161 = tpu.memref_slice %arg7[%mul3A_155] : memref<1024xi32, #tpu.memory_space<vmem>> -> memref<64xi32, #tpu.memory_space<vmem>>
      %dma_start3A_162 = arith.constant 0 : i32
      %dma_start3A_163 = arith.constant 0 : i32
      %dma_start3A_164 = tpu.memref_slice %arg3[%dma_start3A_162, %dma_start3A_163] : memref<8192x128xf32, #tpu.memory_space<hbm>> -> memref<8192x128xf32, #tpu.memory_space<hbm>>
      tpu.enqueue_indirect_dma source(%dma_start3A_164 : memref<8192x128xf32, #tpu.memory_space<hbm>>) target(%dma_start3A_160 : memref<64x128xf32, #tpu.memory_space<vmem>>) offsets(%dma_start3A_161 : memref<64xi32, #tpu.memory_space<vmem>>) semaphore(%arg13 : memref<!tpu.dma_semaphore, #tpu.memory_space<semaphore_mem>>)
      %dma_start3A_165 = arith.constant 3 : i32
      %dma_start3A_166 = arith.constant 0 : i32
      %dma_start3A_167 = arith.constant 0 : i32
      %dma_start3A_168 = tpu.memref_slice %arg9[%dma_start3A_165, %dma_start3A_166, %dma_start3A_167] : memref<4x64x128xf32, #tpu.memory_space<vmem>> -> memref<1x64x128xf32, #tpu.memory_space<vmem>>
      %dma_start3A_169 = tpu.memref_squeeze %dma_start3A_168 : memref<1x64x128xf32, #tpu.memory_space<vmem>> -> memref<64x128xf32, #tpu.memory_space<vmem>>
      %dma_start3A_170 = tpu.memref_slice %arg7[%mul3A_155] : memref<1024xi32, #tpu.memory_space<vmem>> -> memref<64xi32, #tpu.memory_space<vmem>>
      %dma_start3A_171 = arith.constant 0 : i32
      %dma_start3A_172 = arith.constant 0 : i32
      %dma_start3A_173 = tpu.memref_slice %arg4[%dma_start3A_171, %dma_start3A_172] : memref<8192x128xf32, #tpu.memory_space<hbm>> -> memref<8192x128xf32, #tpu.memory_space<hbm>>
      tpu.enqueue_indirect_dma source(%dma_start3A_173 : memref<8192x128xf32, #tpu.memory_space<hbm>>) target(%dma_start3A_169 : memref<64x128xf32, #tpu.memory_space<vmem>>) offsets(%dma_start3A_170 : memref<64xi32, #tpu.memory_space<vmem>>) semaphore(%arg17 : memref<!tpu.dma_semaphore, #tpu.memory_space<semaphore_mem>>)
      %mul3A_174 = arith.constant 1024 : i32
      %mul3A_175 = arith.muli %add3A, %mul3A_174 : i32
      %mul3A_176 = arith.constant 64 : i32
      %mul3A_177 = arith.muli %add3A_129, %mul3A_176 : i32
      %add3A_178 = arith.addi %mul3A_175, %mul3A_177 : i32
      %dma_start3A_179 = arith.constant 0 : i32
      %dma_start3A_180 = arith.constant 0 : i32
      %dma_start3A_181 = arith.constant 0 : i32
      %dma_start3A_182 = tpu.memref_slice %arg8[%dma_start3A_179, %dma_start3A_180, %dma_start3A_181] : memref<4x64x128xf32, #tpu.memory_space<vmem>> -> memref<1x64x128xf32, #tpu.memory_space<vmem>>
      %dma_start3A_183 = tpu.memref_squeeze %dma_start3A_182 : memref<1x64x128xf32, #tpu.memory_space<vmem>> -> memref<64x128xf32, #tpu.memory_space<vmem>>
      %dma_start3A_184 = arith.constant 0 : i32
      %dma_start3A_185 = tpu.memref_slice %arg5[%add3A_178, %dma_start3A_184] : memref<32768x128xf32, #tpu.memory_space<hbm>> -> memref<64x128xf32, #tpu.memory_space<hbm>>
      %dma_start3A_186 = arith.constant 0 : i32
      %dma_start3A_187 = tpu.memref_slice %arg5[%add3A_178, %dma_start3A_186] : memref<32768x128xf32, #tpu.memory_space<hbm>> -> memref<64x128xf32, #tpu.memory_space<hbm>>
      %dma_start3A_188 = arith.constant 0 : i32
      %dma_start3A_189 = arith.constant 0 : i32
      %dma_start3A_190 = tpu.memref_slice %arg8[%dma_start3A_179, %dma_start3A_188, %dma_start3A_189] : memref<4x64x128xf32, #tpu.memory_space<vmem>> -> memref<1x64x128xf32, #tpu.memory_space<vmem>>
      %dma_start3A_191 = tpu.memref_squeeze %dma_start3A_190 : memref<1x64x128xf32, #tpu.memory_space<vmem>> -> memref<64x128xf32, #tpu.memory_space<vmem>>
      tpu.enqueue_dma source(%dma_start3A_191 : memref<64x128xf32, #tpu.memory_space<vmem>>) target(%dma_start3A_187 : memref<64x128xf32, #tpu.memory_space<hbm>>) target_semaphore(%arg18 : memref<!tpu.dma_semaphore, #tpu.memory_space<semaphore_mem>>)
      %dma_start3A_192 = arith.constant 0 : i32
      %dma_start3A_193 = arith.constant 0 : i32
      %dma_start3A_194 = arith.constant 0 : i32
      %dma_start3A_195 = tpu.memref_slice %arg9[%dma_start3A_192, %dma_start3A_193, %dma_start3A_194] : memref<4x64x128xf32, #tpu.memory_space<vmem>> -> memref<1x64x128xf32, #tpu.memory_space<vmem>>
      %dma_start3A_196 = tpu.memref_squeeze %dma_start3A_195 : memref<1x64x128xf32, #tpu.memory_space<vmem>> -> memref<64x128xf32, #tpu.memory_space<vmem>>
      %dma_start3A_197 = arith.constant 0 : i32
      %dma_start3A_198 = tpu.memref_slice %arg6[%add3A_178, %dma_start3A_197] : memref<32768x128xf32, #tpu.memory_space<hbm>> -> memref<64x128xf32, #tpu.memory_space<hbm>>
      %dma_start3A_199 = arith.constant 0 : i32
      %dma_start3A_200 = tpu.memref_slice %arg6[%add3A_178, %dma_start3A_199] : memref<32768x128xf32, #tpu.memory_space<hbm>> -> memref<64x128xf32, #tpu.memory_space<hbm>>
      %dma_start3A_201 = arith.constant 0 : i32
      %dma_start3A_202 = arith.constant 0 : i32
      %dma_start3A_203 = tpu.memref_slice %arg9[%dma_start3A_192, %dma_start3A_201, %dma_start3A_202] : memref<4x64x128xf32, #tpu.memory_space<vmem>> -> memref<1x64x128xf32, #tpu.memory_space<vmem>>
      %dma_start3A_204 = tpu.memref_squeeze %dma_start3A_203 : memref<1x64x128xf32, #tpu.memory_space<vmem>> -> memref<64x128xf32, #tpu.memory_space<vmem>>
      tpu.enqueue_dma source(%dma_start3A_204 : memref<64x128xf32, #tpu.memory_space<vmem>>) target(%dma_start3A_200 : memref<64x128xf32, #tpu.memory_space<hbm>>) target_semaphore(%arg22 : memref<!tpu.dma_semaphore, #tpu.memory_space<semaphore_mem>>)
      %mul3A_205 = arith.constant 4 : i32
      %mul3A_206 = arith.muli %scan3A_125, %mul3A_205 : i32
      %add3A_207 = arith.constant 1 : i32
      %add3A_208 = arith.addi %mul3A_206, %add3A_207 : i32
      %mul3A_209 = arith.constant 64 : i32
      %mul3A_210 = arith.muli %add3A_208, %mul3A_209 : i32
      %dma_wait3A_211 = arith.constant 1 : i32
      %dma_wait3A_212 = arith.constant 0 : i32
      %dma_wait3A_213 = arith.constant 0 : i32
      %dma_wait3A_214 = tpu.memref_slice %arg8[%dma_wait3A_211, %dma_wait3A_212, %dma_wait3A_213] : memref<4x64x128xf32, #tpu.memory_space<vmem>> -> memref<1x64x128xf32, #tpu.memory_space<vmem>>
      %dma_wait3A_215 = tpu.memref_squeeze %dma_wait3A_214 : memref<1x64x128xf32, #tpu.memory_space<vmem>> -> memref<64x128xf32, #tpu.memory_space<vmem>>
      %dma_wait3A_216 = tpu.memref_slice %arg7[%mul3A_210] : memref<1024xi32, #tpu.memory_space<vmem>> -> memref<64xi32, #tpu.memory_space<vmem>>
      %dma_wait3A_217 = arith.constant 0 : i32
      %dma_wait3A_218 = arith.constant 0 : i32
      %dma_wait3A_219 = tpu.memref_slice %arg3[%dma_wait3A_217, %dma_wait3A_218] : memref<8192x128xf32, #tpu.memory_space<hbm>> -> memref<8192x128xf32, #tpu.memory_space<hbm>>
      tpu.wait_indirect_dma semaphore(%arg11 : memref<!tpu.dma_semaphore, #tpu.memory_space<semaphore_mem>>) src(%dma_wait3A_219 : memref<8192x128xf32, #tpu.memory_space<hbm>>) dst(%dma_wait3A_215 : memref<64x128xf32, #tpu.memory_space<vmem>>)
      %dma_wait3A_220 = arith.constant 1 : i32
      %dma_wait3A_221 = arith.constant 0 : i32
      %dma_wait3A_222 = arith.constant 0 : i32
      %dma_wait3A_223 = tpu.memref_slice %arg9[%dma_wait3A_220, %dma_wait3A_221, %dma_wait3A_222] : memref<4x64x128xf32, #tpu.memory_space<vmem>> -> memref<1x64x128xf32, #tpu.memory_space<vmem>>
      %dma_wait3A_224 = tpu.memref_squeeze %dma_wait3A_223 : memref<1x64x128xf32, #tpu.memory_space<vmem>> -> memref<64x128xf32, #tpu.memory_space<vmem>>
      %dma_wait3A_225 = tpu.memref_slice %arg7[%mul3A_210] : memref<1024xi32, #tpu.memory_space<vmem>> -> memref<64xi32, #tpu.memory_space<vmem>>
      %dma_wait3A_226 = arith.constant 0 : i32
      %dma_wait3A_227 = arith.constant 0 : i32
      %dma_wait3A_228 = tpu.memref_slice %arg4[%dma_wait3A_226, %dma_wait3A_227] : memref<8192x128xf32, #tpu.memory_space<hbm>> -> memref<8192x128xf32, #tpu.memory_space<hbm>>
      tpu.wait_indirect_dma semaphore(%arg15 : memref<!tpu.dma_semaphore, #tpu.memory_space<semaphore_mem>>) src(%dma_wait3A_228 : memref<8192x128xf32, #tpu.memory_space<hbm>>) dst(%dma_wait3A_224 : memref<64x128xf32, #tpu.memory_space<vmem>>)
      %sub3A_229 = arith.constant 1 : i32
      %sub3A_230 = arith.subi %add3A_208, %sub3A_229 : i32
      %mul3A_231 = arith.constant 1024 : i32
      %mul3A_232 = arith.muli %add3A, %mul3A_231 : i32
      %mul3A_233 = arith.constant 64 : i32
      %mul3A_234 = arith.muli %sub3A_230, %mul3A_233 : i32
      %add3A_235 = arith.addi %mul3A_232, %mul3A_234 : i32
      %dma_wait3A_236 = arith.constant 0 : i32
      %dma_wait3A_237 = arith.constant 0 : i32
      %dma_wait3A_238 = arith.constant 0 : i32
      %dma_wait3A_239 = tpu.memref_slice %arg8[%dma_wait3A_236, %dma_wait3A_237, %dma_wait3A_238] : memref<4x64x128xf32, #tpu.memory_space<vmem>> -> memref<1x64x128xf32, #tpu.memory_space<vmem>>
      %dma_wait3A_240 = tpu.memref_squeeze %dma_wait3A_239 : memref<1x64x128xf32, #tpu.memory_space<vmem>> -> memref<64x128xf32, #tpu.memory_space<vmem>>
      %dma_wait3A_241 = arith.constant 0 : i32
      %dma_wait3A_242 = tpu.memref_slice %arg5[%add3A_235, %dma_wait3A_241] : memref<32768x128xf32, #tpu.memory_space<hbm>> -> memref<64x128xf32, #tpu.memory_space<hbm>>
      %dma_wait3A_243 = arith.constant 0 : i32
      %dma_wait3A_244 = tpu.memref_slice %arg5[%add3A_235, %dma_wait3A_243] : memref<32768x128xf32, #tpu.memory_space<hbm>> -> memref<64x128xf32, #tpu.memory_space<hbm>>
      %dma_wait3A_245 = arith.constant 0 : i32
      %dma_wait3A_246 = arith.constant 0 : i32
      %dma_wait3A_247 = tpu.memref_slice %arg8[%dma_wait3A_236, %dma_wait3A_245, %dma_wait3A_246] : memref<4x64x128xf32, #tpu.memory_space<vmem>> -> memref<1x64x128xf32, #tpu.memory_space<vmem>>
      %dma_wait3A_248 = tpu.memref_squeeze %dma_wait3A_247 : memref<1x64x128xf32, #tpu.memory_space<vmem>> -> memref<64x128xf32, #tpu.memory_space<vmem>>
      tpu.wait_dma2 semaphore(%arg18 : memref<!tpu.dma_semaphore, #tpu.memory_space<semaphore_mem>>) src(%dma_wait3A_248 : memref<64x128xf32, #tpu.memory_space<vmem>>) dst(%dma_wait3A_244 : memref<64x128xf32, #tpu.memory_space<hbm>>)
      %dma_wait3A_249 = arith.constant 0 : i32
      %dma_wait3A_250 = arith.constant 0 : i32
      %dma_wait3A_251 = arith.constant 0 : i32
      %dma_wait3A_252 = tpu.memref_slice %arg9[%dma_wait3A_249, %dma_wait3A_250, %dma_wait3A_251] : memref<4x64x128xf32, #tpu.memory_space<vmem>> -> memref<1x64x128xf32, #tpu.memory_space<vmem>>
      %dma_wait3A_253 = tpu.memref_squeeze %dma_wait3A_252 : memref<1x64x128xf32, #tpu.memory_space<vmem>> -> memref<64x128xf32, #tpu.memory_space<vmem>>
      %dma_wait3A_254 = arith.constant 0 : i32
      %dma_wait3A_255 = tpu.memref_slice %arg6[%add3A_235, %dma_wait3A_254] : memref<32768x128xf32, #tpu.memory_space<hbm>> -> memref<64x128xf32, #tpu.memory_space<hbm>>
      %dma_wait3A_256 = arith.constant 0 : i32
      %dma_wait3A_257 = tpu.memref_slice %arg6[%add3A_235, %dma_wait3A_256] : memref<32768x128xf32, #tpu.memory_space<hbm>> -> memref<64x128xf32, #tpu.memory_space<hbm>>
      %dma_wait3A_258 = arith.constant 0 : i32
      %dma_wait3A_259 = arith.constant 0 : i32
      %dma_wait3A_260 = tpu.memref_slice %arg9[%dma_wait3A_249, %dma_wait3A_258, %dma_wait3A_259] : memref<4x64x128xf32, #tpu.memory_space<vmem>> -> memref<1x64x128xf32, #tpu.memory_space<vmem>>
      %dma_wait3A_261 = tpu.memref_squeeze %dma_wait3A_260 : memref<1x64x128xf32, #tpu.memory_space<vmem>> -> memref<64x128xf32, #tpu.memory_space<vmem>>
      tpu.wait_dma2 semaphore(%arg22 : memref<!tpu.dma_semaphore, #tpu.memory_space<semaphore_mem>>) src(%dma_wait3A_261 : memref<64x128xf32, #tpu.memory_space<vmem>>) dst(%dma_wait3A_257 : memref<64x128xf32, #tpu.memory_space<hbm>>)
      %lt3A_262 = arith.constant 3 : i32
      %lt3A_263 = arith.cmpi slt, %scan3A_125, %lt3A_262 : i32
      %convert_element_type3A_264 = arith.extui %lt3A_263 : i1 to i32
      %cond3A_265 = arith.constant 0 : i32
      %cond3A_266 = arith.cmpi ne, %convert_element_type3A_264, %cond3A_265 : i32
      scf.if %cond3A_266 {
        %add3A_484 = arith.constant 3 : i32
        %add3A_485 = arith.addi %add3A_208, %add3A_484 : i32
        %mul3A_486 = arith.constant 64 : i32
        %mul3A_487 = arith.muli %add3A_485, %mul3A_486 : i32
        %dma_start3A_488 = arith.constant 0 : i32
        %dma_start3A_489 = arith.constant 0 : i32
        %dma_start3A_490 = arith.constant 0 : i32
        %dma_start3A_491 = tpu.memref_slice %arg8[%dma_start3A_488, %dma_start3A_489, %dma_start3A_490] : memref<4x64x128xf32, #tpu.memory_space<vmem>> -> memref<1x64x128xf32, #tpu.memory_space<vmem>>
        %dma_start3A_492 = tpu.memref_squeeze %dma_start3A_491 : memref<1x64x128xf32, #tpu.memory_space<vmem>> -> memref<64x128xf32, #tpu.memory_space<vmem>>
        %dma_start3A_493 = tpu.memref_slice %arg7[%mul3A_487] : memref<1024xi32, #tpu.memory_space<vmem>> -> memref<64xi32, #tpu.memory_space<vmem>>
        %dma_start3A_494 = arith.constant 0 : i32
        %dma_start3A_495 = arith.constant 0 : i32
        %dma_start3A_496 = tpu.memref_slice %arg3[%dma_start3A_494, %dma_start3A_495] : memref<8192x128xf32, #tpu.memory_space<hbm>> -> memref<8192x128xf32, #tpu.memory_space<hbm>>
        tpu.enqueue_indirect_dma source(%dma_start3A_496 : memref<8192x128xf32, #tpu.memory_space<hbm>>) target(%dma_start3A_492 : memref<64x128xf32, #tpu.memory_space<vmem>>) offsets(%dma_start3A_493 : memref<64xi32, #tpu.memory_space<vmem>>) semaphore(%arg10 : memref<!tpu.dma_semaphore, #tpu.memory_space<semaphore_mem>>)
        %dma_start3A_497 = arith.constant 0 : i32
        %dma_start3A_498 = arith.constant 0 : i32
        %dma_start3A_499 = arith.constant 0 : i32
        %dma_start3A_500 = tpu.memref_slice %arg9[%dma_start3A_497, %dma_start3A_498, %dma_start3A_499] : memref<4x64x128xf32, #tpu.memory_space<vmem>> -> memref<1x64x128xf32, #tpu.memory_space<vmem>>
        %dma_start3A_501 = tpu.memref_squeeze %dma_start3A_500 : memref<1x64x128xf32, #tpu.memory_space<vmem>> -> memref<64x128xf32, #tpu.memory_space<vmem>>
        %dma_start3A_502 = tpu.memref_slice %arg7[%mul3A_487] : memref<1024xi32, #tpu.memory_space<vmem>> -> memref<64xi32, #tpu.memory_space<vmem>>
        %dma_start3A_503 = arith.constant 0 : i32
        %dma_start3A_504 = arith.constant 0 : i32
        %dma_start3A_505 = tpu.memref_slice %arg4[%dma_start3A_503, %dma_start3A_504] : memref<8192x128xf32, #tpu.memory_space<hbm>> -> memref<8192x128xf32, #tpu.memory_space<hbm>>
        tpu.enqueue_indirect_dma source(%dma_start3A_505 : memref<8192x128xf32, #tpu.memory_space<hbm>>) target(%dma_start3A_501 : memref<64x128xf32, #tpu.memory_space<vmem>>) offsets(%dma_start3A_502 : memref<64xi32, #tpu.memory_space<vmem>>) semaphore(%arg14 : memref<!tpu.dma_semaphore, #tpu.memory_space<semaphore_mem>>)
      } else {
      }
      %mul3A_267 = arith.constant 1024 : i32
      %mul3A_268 = arith.muli %add3A, %mul3A_267 : i32
      %mul3A_269 = arith.constant 64 : i32
      %mul3A_270 = arith.muli %add3A_208, %mul3A_269 : i32
      %add3A_271 = arith.addi %mul3A_268, %mul3A_270 : i32
      %dma_start3A_272 = arith.constant 1 : i32
      %dma_start3A_273 = arith.constant 0 : i32
      %dma_start3A_274 = arith.constant 0 : i32
      %dma_start3A_275 = tpu.memref_slice %arg8[%dma_start3A_272, %dma_start3A_273, %dma_start3A_274] : memref<4x64x128xf32, #tpu.memory_space<vmem>> -> memref<1x64x128xf32, #tpu.memory_space<vmem>>
      %dma_start3A_276 = tpu.memref_squeeze %dma_start3A_275 : memref<1x64x128xf32, #tpu.memory_space<vmem>> -> memref<64x128xf32, #tpu.memory_space<vmem>>
      %dma_start3A_277 = arith.constant 0 : i32
      %dma_start3A_278 = tpu.memref_slice %arg5[%add3A_271, %dma_start3A_277] : memref<32768x128xf32, #tpu.memory_space<hbm>> -> memref<64x128xf32, #tpu.memory_space<hbm>>
      %dma_start3A_279 = arith.constant 0 : i32
      %dma_start3A_280 = tpu.memref_slice %arg5[%add3A_271, %dma_start3A_279] : memref<32768x128xf32, #tpu.memory_space<hbm>> -> memref<64x128xf32, #tpu.memory_space<hbm>>
      %dma_start3A_281 = arith.constant 0 : i32
      %dma_start3A_282 = arith.constant 0 : i32
      %dma_start3A_283 = tpu.memref_slice %arg8[%dma_start3A_272, %dma_start3A_281, %dma_start3A_282] : memref<4x64x128xf32, #tpu.memory_space<vmem>> -> memref<1x64x128xf32, #tpu.memory_space<vmem>>
      %dma_start3A_284 = tpu.memref_squeeze %dma_start3A_283 : memref<1x64x128xf32, #tpu.memory_space<vmem>> -> memref<64x128xf32, #tpu.memory_space<vmem>>
      tpu.enqueue_dma source(%dma_start3A_284 : memref<64x128xf32, #tpu.memory_space<vmem>>) target(%dma_start3A_280 : memref<64x128xf32, #tpu.memory_space<hbm>>) target_semaphore(%arg19 : memref<!tpu.dma_semaphore, #tpu.memory_space<semaphore_mem>>)
      %dma_start3A_285 = arith.constant 1 : i32
      %dma_start3A_286 = arith.constant 0 : i32
      %dma_start3A_287 = arith.constant 0 : i32
      %dma_start3A_288 = tpu.memref_slice %arg9[%dma_start3A_285, %dma_start3A_286, %dma_start3A_287] : memref<4x64x128xf32, #tpu.memory_space<vmem>> -> memref<1x64x128xf32, #tpu.memory_space<vmem>>
      %dma_start3A_289 = tpu.memref_squeeze %dma_start3A_288 : memref<1x64x128xf32, #tpu.memory_space<vmem>> -> memref<64x128xf32, #tpu.memory_space<vmem>>
      %dma_start3A_290 = arith.constant 0 : i32
      %dma_start3A_291 = tpu.memref_slice %arg6[%add3A_271, %dma_start3A_290] : memref<32768x128xf32, #tpu.memory_space<hbm>> -> memref<64x128xf32, #tpu.memory_space<hbm>>
      %dma_start3A_292 = arith.constant 0 : i32
      %dma_start3A_293 = tpu.memref_slice %arg6[%add3A_271, %dma_start3A_292] : memref<32768x128xf32, #tpu.memory_space<hbm>> -> memref<64x128xf32, #tpu.memory_space<hbm>>
      %dma_start3A_294 = arith.constant 0 : i32
      %dma_start3A_295 = arith.constant 0 : i32
      %dma_start3A_296 = tpu.memref_slice %arg9[%dma_start3A_285, %dma_start3A_294, %dma_start3A_295] : memref<4x64x128xf32, #tpu.memory_space<vmem>> -> memref<1x64x128xf32, #tpu.memory_space<vmem>>
      %dma_start3A_297 = tpu.memref_squeeze %dma_start3A_296 : memref<1x64x128xf32, #tpu.memory_space<vmem>> -> memref<64x128xf32, #tpu.memory_space<vmem>>
      tpu.enqueue_dma source(%dma_start3A_297 : memref<64x128xf32, #tpu.memory_space<vmem>>) target(%dma_start3A_293 : memref<64x128xf32, #tpu.memory_space<hbm>>) target_semaphore(%arg23 : memref<!tpu.dma_semaphore, #tpu.memory_space<semaphore_mem>>)
      %mul3A_298 = arith.constant 4 : i32
      %mul3A_299 = arith.muli %scan3A_125, %mul3A_298 : i32
      %add3A_300 = arith.constant 2 : i32
      %add3A_301 = arith.addi %mul3A_299, %add3A_300 : i32
      %mul3A_302 = arith.constant 64 : i32
      %mul3A_303 = arith.muli %add3A_301, %mul3A_302 : i32
      %dma_wait3A_304 = arith.constant 2 : i32
      %dma_wait3A_305 = arith.constant 0 : i32
      %dma_wait3A_306 = arith.constant 0 : i32
      %dma_wait3A_307 = tpu.memref_slice %arg8[%dma_wait3A_304, %dma_wait3A_305, %dma_wait3A_306] : memref<4x64x128xf32, #tpu.memory_space<vmem>> -> memref<1x64x128xf32, #tpu.memory_space<vmem>>
      %dma_wait3A_308 = tpu.memref_squeeze %dma_wait3A_307 : memref<1x64x128xf32, #tpu.memory_space<vmem>> -> memref<64x128xf32, #tpu.memory_space<vmem>>
      %dma_wait3A_309 = tpu.memref_slice %arg7[%mul3A_303] : memref<1024xi32, #tpu.memory_space<vmem>> -> memref<64xi32, #tpu.memory_space<vmem>>
      %dma_wait3A_310 = arith.constant 0 : i32
      %dma_wait3A_311 = arith.constant 0 : i32
      %dma_wait3A_312 = tpu.memref_slice %arg3[%dma_wait3A_310, %dma_wait3A_311] : memref<8192x128xf32, #tpu.memory_space<hbm>> -> memref<8192x128xf32, #tpu.memory_space<hbm>>
      tpu.wait_indirect_dma semaphore(%arg12 : memref<!tpu.dma_semaphore, #tpu.memory_space<semaphore_mem>>) src(%dma_wait3A_312 : memref<8192x128xf32, #tpu.memory_space<hbm>>) dst(%dma_wait3A_308 : memref<64x128xf32, #tpu.memory_space<vmem>>)
      %dma_wait3A_313 = arith.constant 2 : i32
      %dma_wait3A_314 = arith.constant 0 : i32
      %dma_wait3A_315 = arith.constant 0 : i32
      %dma_wait3A_316 = tpu.memref_slice %arg9[%dma_wait3A_313, %dma_wait3A_314, %dma_wait3A_315] : memref<4x64x128xf32, #tpu.memory_space<vmem>> -> memref<1x64x128xf32, #tpu.memory_space<vmem>>
      %dma_wait3A_317 = tpu.memref_squeeze %dma_wait3A_316 : memref<1x64x128xf32, #tpu.memory_space<vmem>> -> memref<64x128xf32, #tpu.memory_space<vmem>>
      %dma_wait3A_318 = tpu.memref_slice %arg7[%mul3A_303] : memref<1024xi32, #tpu.memory_space<vmem>> -> memref<64xi32, #tpu.memory_space<vmem>>
      %dma_wait3A_319 = arith.constant 0 : i32
      %dma_wait3A_320 = arith.constant 0 : i32
      %dma_wait3A_321 = tpu.memref_slice %arg4[%dma_wait3A_319, %dma_wait3A_320] : memref<8192x128xf32, #tpu.memory_space<hbm>> -> memref<8192x128xf32, #tpu.memory_space<hbm>>
      tpu.wait_indirect_dma semaphore(%arg16 : memref<!tpu.dma_semaphore, #tpu.memory_space<semaphore_mem>>) src(%dma_wait3A_321 : memref<8192x128xf32, #tpu.memory_space<hbm>>) dst(%dma_wait3A_317 : memref<64x128xf32, #tpu.memory_space<vmem>>)
      %sub3A_322 = arith.constant 1 : i32
      %sub3A_323 = arith.subi %add3A_301, %sub3A_322 : i32
      %mul3A_324 = arith.constant 1024 : i32
      %mul3A_325 = arith.muli %add3A, %mul3A_324 : i32
      %mul3A_326 = arith.constant 64 : i32
      %mul3A_327 = arith.muli %sub3A_323, %mul3A_326 : i32
      %add3A_328 = arith.addi %mul3A_325, %mul3A_327 : i32
      %dma_wait3A_329 = arith.constant 1 : i32
      %dma_wait3A_330 = arith.constant 0 : i32
      %dma_wait3A_331 = arith.constant 0 : i32
      %dma_wait3A_332 = tpu.memref_slice %arg8[%dma_wait3A_329, %dma_wait3A_330, %dma_wait3A_331] : memref<4x64x128xf32, #tpu.memory_space<vmem>> -> memref<1x64x128xf32, #tpu.memory_space<vmem>>
      %dma_wait3A_333 = tpu.memref_squeeze %dma_wait3A_332 : memref<1x64x128xf32, #tpu.memory_space<vmem>> -> memref<64x128xf32, #tpu.memory_space<vmem>>
      %dma_wait3A_334 = arith.constant 0 : i32
      %dma_wait3A_335 = tpu.memref_slice %arg5[%add3A_328, %dma_wait3A_334] : memref<32768x128xf32, #tpu.memory_space<hbm>> -> memref<64x128xf32, #tpu.memory_space<hbm>>
      %dma_wait3A_336 = arith.constant 0 : i32
      %dma_wait3A_337 = tpu.memref_slice %arg5[%add3A_328, %dma_wait3A_336] : memref<32768x128xf32, #tpu.memory_space<hbm>> -> memref<64x128xf32, #tpu.memory_space<hbm>>
      %dma_wait3A_338 = arith.constant 0 : i32
      %dma_wait3A_339 = arith.constant 0 : i32
      %dma_wait3A_340 = tpu.memref_slice %arg8[%dma_wait3A_329, %dma_wait3A_338, %dma_wait3A_339] : memref<4x64x128xf32, #tpu.memory_space<vmem>> -> memref<1x64x128xf32, #tpu.memory_space<vmem>>
      %dma_wait3A_341 = tpu.memref_squeeze %dma_wait3A_340 : memref<1x64x128xf32, #tpu.memory_space<vmem>> -> memref<64x128xf32, #tpu.memory_space<vmem>>
      tpu.wait_dma2 semaphore(%arg19 : memref<!tpu.dma_semaphore, #tpu.memory_space<semaphore_mem>>) src(%dma_wait3A_341 : memref<64x128xf32, #tpu.memory_space<vmem>>) dst(%dma_wait3A_337 : memref<64x128xf32, #tpu.memory_space<hbm>>)
      %dma_wait3A_342 = arith.constant 1 : i32
      %dma_wait3A_343 = arith.constant 0 : i32
      %dma_wait3A_344 = arith.constant 0 : i32
      %dma_wait3A_345 = tpu.memref_slice %arg9[%dma_wait3A_342, %dma_wait3A_343, %dma_wait3A_344] : memref<4x64x128xf32, #tpu.memory_space<vmem>> -> memref<1x64x128xf32, #tpu.memory_space<vmem>>
      %dma_wait3A_346 = tpu.memref_squeeze %dma_wait3A_345 : memref<1x64x128xf32, #tpu.memory_space<vmem>> -> memref<64x128xf32, #tpu.memory_space<vmem>>
      %dma_wait3A_347 = arith.constant 0 : i32
      %dma_wait3A_348 = tpu.memref_slice %arg6[%add3A_328, %dma_wait3A_347] : memref<32768x128xf32, #tpu.memory_space<hbm>> -> memref<64x128xf32, #tpu.memory_space<hbm>>
      %dma_wait3A_349 = arith.constant 0 : i32
      %dma_wait3A_350 = tpu.memref_slice %arg6[%add3A_328, %dma_wait3A_349] : memref<32768x128xf32, #tpu.memory_space<hbm>> -> memref<64x128xf32, #tpu.memory_space<hbm>>
      %dma_wait3A_351 = arith.constant 0 : i32
      %dma_wait3A_352 = arith.constant 0 : i32
      %dma_wait3A_353 = tpu.memref_slice %arg9[%dma_wait3A_342, %dma_wait3A_351, %dma_wait3A_352] : memref<4x64x128xf32, #tpu.memory_space<vmem>> -> memref<1x64x128xf32, #tpu.memory_space<vmem>>
      %dma_wait3A_354 = tpu.memref_squeeze %dma_wait3A_353 : memref<1x64x128xf32, #tpu.memory_space<vmem>> -> memref<64x128xf32, #tpu.memory_space<vmem>>
      tpu.wait_dma2 semaphore(%arg23 : memref<!tpu.dma_semaphore, #tpu.memory_space<semaphore_mem>>) src(%dma_wait3A_354 : memref<64x128xf32, #tpu.memory_space<vmem>>) dst(%dma_wait3A_350 : memref<64x128xf32, #tpu.memory_space<hbm>>)
      %lt3A_355 = arith.constant 3 : i32
      %lt3A_356 = arith.cmpi slt, %scan3A_125, %lt3A_355 : i32
      %convert_element_type3A_357 = arith.extui %lt3A_356 : i1 to i32
      %cond3A_358 = arith.constant 0 : i32
      %cond3A_359 = arith.cmpi ne, %convert_element_type3A_357, %cond3A_358 : i32
      scf.if %cond3A_359 {
        %add3A_484 = arith.constant 3 : i32
        %add3A_485 = arith.addi %add3A_301, %add3A_484 : i32
        %mul3A_486 = arith.constant 64 : i32
        %mul3A_487 = arith.muli %add3A_485, %mul3A_486 : i32
        %dma_start3A_488 = arith.constant 1 : i32
        %dma_start3A_489 = arith.constant 0 : i32
        %dma_start3A_490 = arith.constant 0 : i32
        %dma_start3A_491 = tpu.memref_slice %arg8[%dma_start3A_488, %dma_start3A_489, %dma_start3A_490] : memref<4x64x128xf32, #tpu.memory_space<vmem>> -> memref<1x64x128xf32, #tpu.memory_space<vmem>>
        %dma_start3A_492 = tpu.memref_squeeze %dma_start3A_491 : memref<1x64x128xf32, #tpu.memory_space<vmem>> -> memref<64x128xf32, #tpu.memory_space<vmem>>
        %dma_start3A_493 = tpu.memref_slice %arg7[%mul3A_487] : memref<1024xi32, #tpu.memory_space<vmem>> -> memref<64xi32, #tpu.memory_space<vmem>>
        %dma_start3A_494 = arith.constant 0 : i32
        %dma_start3A_495 = arith.constant 0 : i32
        %dma_start3A_496 = tpu.memref_slice %arg3[%dma_start3A_494, %dma_start3A_495] : memref<8192x128xf32, #tpu.memory_space<hbm>> -> memref<8192x128xf32, #tpu.memory_space<hbm>>
        tpu.enqueue_indirect_dma source(%dma_start3A_496 : memref<8192x128xf32, #tpu.memory_space<hbm>>) target(%dma_start3A_492 : memref<64x128xf32, #tpu.memory_space<vmem>>) offsets(%dma_start3A_493 : memref<64xi32, #tpu.memory_space<vmem>>) semaphore(%arg11 : memref<!tpu.dma_semaphore, #tpu.memory_space<semaphore_mem>>)
        %dma_start3A_497 = arith.constant 1 : i32
        %dma_start3A_498 = arith.constant 0 : i32
        %dma_start3A_499 = arith.constant 0 : i32
        %dma_start3A_500 = tpu.memref_slice %arg9[%dma_start3A_497, %dma_start3A_498, %dma_start3A_499] : memref<4x64x128xf32, #tpu.memory_space<vmem>> -> memref<1x64x128xf32, #tpu.memory_space<vmem>>
        %dma_start3A_501 = tpu.memref_squeeze %dma_start3A_500 : memref<1x64x128xf32, #tpu.memory_space<vmem>> -> memref<64x128xf32, #tpu.memory_space<vmem>>
        %dma_start3A_502 = tpu.memref_slice %arg7[%mul3A_487] : memref<1024xi32, #tpu.memory_space<vmem>> -> memref<64xi32, #tpu.memory_space<vmem>>
        %dma_start3A_503 = arith.constant 0 : i32
        %dma_start3A_504 = arith.constant 0 : i32
        %dma_start3A_505 = tpu.memref_slice %arg4[%dma_start3A_503, %dma_start3A_504] : memref<8192x128xf32, #tpu.memory_space<hbm>> -> memref<8192x128xf32, #tpu.memory_space<hbm>>
        tpu.enqueue_indirect_dma source(%dma_start3A_505 : memref<8192x128xf32, #tpu.memory_space<hbm>>) target(%dma_start3A_501 : memref<64x128xf32, #tpu.memory_space<vmem>>) offsets(%dma_start3A_502 : memref<64xi32, #tpu.memory_space<vmem>>) semaphore(%arg15 : memref<!tpu.dma_semaphore, #tpu.memory_space<semaphore_mem>>)
      } else {
      }
      %mul3A_360 = arith.constant 1024 : i32
      %mul3A_361 = arith.muli %add3A, %mul3A_360 : i32
      %mul3A_362 = arith.constant 64 : i32
      %mul3A_363 = arith.muli %add3A_301, %mul3A_362 : i32
      %add3A_364 = arith.addi %mul3A_361, %mul3A_363 : i32
      %dma_start3A_365 = arith.constant 2 : i32
      %dma_start3A_366 = arith.constant 0 : i32
      %dma_start3A_367 = arith.constant 0 : i32
      %dma_start3A_368 = tpu.memref_slice %arg8[%dma_start3A_365, %dma_start3A_366, %dma_start3A_367] : memref<4x64x128xf32, #tpu.memory_space<vmem>> -> memref<1x64x128xf32, #tpu.memory_space<vmem>>
      %dma_start3A_369 = tpu.memref_squeeze %dma_start3A_368 : memref<1x64x128xf32, #tpu.memory_space<vmem>> -> memref<64x128xf32, #tpu.memory_space<vmem>>
      %dma_start3A_370 = arith.constant 0 : i32
      %dma_start3A_371 = tpu.memref_slice %arg5[%add3A_364, %dma_start3A_370] : memref<32768x128xf32, #tpu.memory_space<hbm>> -> memref<64x128xf32, #tpu.memory_space<hbm>>
      %dma_start3A_372 = arith.constant 0 : i32
      %dma_start3A_373 = tpu.memref_slice %arg5[%add3A_364, %dma_start3A_372] : memref<32768x128xf32, #tpu.memory_space<hbm>> -> memref<64x128xf32, #tpu.memory_space<hbm>>
      %dma_start3A_374 = arith.constant 0 : i32
      %dma_start3A_375 = arith.constant 0 : i32
      %dma_start3A_376 = tpu.memref_slice %arg8[%dma_start3A_365, %dma_start3A_374, %dma_start3A_375] : memref<4x64x128xf32, #tpu.memory_space<vmem>> -> memref<1x64x128xf32, #tpu.memory_space<vmem>>
      %dma_start3A_377 = tpu.memref_squeeze %dma_start3A_376 : memref<1x64x128xf32, #tpu.memory_space<vmem>> -> memref<64x128xf32, #tpu.memory_space<vmem>>
      tpu.enqueue_dma source(%dma_start3A_377 : memref<64x128xf32, #tpu.memory_space<vmem>>) target(%dma_start3A_373 : memref<64x128xf32, #tpu.memory_space<hbm>>) target_semaphore(%arg20 : memref<!tpu.dma_semaphore, #tpu.memory_space<semaphore_mem>>)
      %dma_start3A_378 = arith.constant 2 : i32
      %dma_start3A_379 = arith.constant 0 : i32
      %dma_start3A_380 = arith.constant 0 : i32
      %dma_start3A_381 = tpu.memref_slice %arg9[%dma_start3A_378, %dma_start3A_379, %dma_start3A_380] : memref<4x64x128xf32, #tpu.memory_space<vmem>> -> memref<1x64x128xf32, #tpu.memory_space<vmem>>
      %dma_start3A_382 = tpu.memref_squeeze %dma_start3A_381 : memref<1x64x128xf32, #tpu.memory_space<vmem>> -> memref<64x128xf32, #tpu.memory_space<vmem>>
      %dma_start3A_383 = arith.constant 0 : i32
      %dma_start3A_384 = tpu.memref_slice %arg6[%add3A_364, %dma_start3A_383] : memref<32768x128xf32, #tpu.memory_space<hbm>> -> memref<64x128xf32, #tpu.memory_space<hbm>>
      %dma_start3A_385 = arith.constant 0 : i32
      %dma_start3A_386 = tpu.memref_slice %arg6[%add3A_364, %dma_start3A_385] : memref<32768x128xf32, #tpu.memory_space<hbm>> -> memref<64x128xf32, #tpu.memory_space<hbm>>
      %dma_start3A_387 = arith.constant 0 : i32
      %dma_start3A_388 = arith.constant 0 : i32
      %dma_start3A_389 = tpu.memref_slice %arg9[%dma_start3A_378, %dma_start3A_387, %dma_start3A_388] : memref<4x64x128xf32, #tpu.memory_space<vmem>> -> memref<1x64x128xf32, #tpu.memory_space<vmem>>
      %dma_start3A_390 = tpu.memref_squeeze %dma_start3A_389 : memref<1x64x128xf32, #tpu.memory_space<vmem>> -> memref<64x128xf32, #tpu.memory_space<vmem>>
      tpu.enqueue_dma source(%dma_start3A_390 : memref<64x128xf32, #tpu.memory_space<vmem>>) target(%dma_start3A_386 : memref<64x128xf32, #tpu.memory_space<hbm>>) target_semaphore(%arg24 : memref<!tpu.dma_semaphore, #tpu.memory_space<semaphore_mem>>)
      %mul3A_391 = arith.constant 4 : i32
      %mul3A_392 = arith.muli %scan3A_125, %mul3A_391 : i32
      %add3A_393 = arith.constant 3 : i32
      %add3A_394 = arith.addi %mul3A_392, %add3A_393 : i32
      %mul3A_395 = arith.constant 64 : i32
      %mul3A_396 = arith.muli %add3A_394, %mul3A_395 : i32
      %dma_wait3A_397 = arith.constant 3 : i32
      %dma_wait3A_398 = arith.constant 0 : i32
      %dma_wait3A_399 = arith.constant 0 : i32
      %dma_wait3A_400 = tpu.memref_slice %arg8[%dma_wait3A_397, %dma_wait3A_398, %dma_wait3A_399] : memref<4x64x128xf32, #tpu.memory_space<vmem>> -> memref<1x64x128xf32, #tpu.memory_space<vmem>>
      %dma_wait3A_401 = tpu.memref_squeeze %dma_wait3A_400 : memref<1x64x128xf32, #tpu.memory_space<vmem>> -> memref<64x128xf32, #tpu.memory_space<vmem>>
      %dma_wait3A_402 = tpu.memref_slice %arg7[%mul3A_396] : memref<1024xi32, #tpu.memory_space<vmem>> -> memref<64xi32, #tpu.memory_space<vmem>>
      %dma_wait3A_403 = arith.constant 0 : i32
      %dma_wait3A_404 = arith.constant 0 : i32
      %dma_wait3A_405 = tpu.memref_slice %arg3[%dma_wait3A_403, %dma_wait3A_404] : memref<8192x128xf32, #tpu.memory_space<hbm>> -> memref<8192x128xf32, #tpu.memory_space<hbm>>
      tpu.wait_indirect_dma semaphore(%arg13 : memref<!tpu.dma_semaphore, #tpu.memory_space<semaphore_mem>>) src(%dma_wait3A_405 : memref<8192x128xf32, #tpu.memory_space<hbm>>) dst(%dma_wait3A_401 : memref<64x128xf32, #tpu.memory_space<vmem>>)
      %dma_wait3A_406 = arith.constant 3 : i32
      %dma_wait3A_407 = arith.constant 0 : i32
      %dma_wait3A_408 = arith.constant 0 : i32
      %dma_wait3A_409 = tpu.memref_slice %arg9[%dma_wait3A_406, %dma_wait3A_407, %dma_wait3A_408] : memref<4x64x128xf32, #tpu.memory_space<vmem>> -> memref<1x64x128xf32, #tpu.memory_space<vmem>>
      %dma_wait3A_410 = tpu.memref_squeeze %dma_wait3A_409 : memref<1x64x128xf32, #tpu.memory_space<vmem>> -> memref<64x128xf32, #tpu.memory_space<vmem>>
      %dma_wait3A_411 = tpu.memref_slice %arg7[%mul3A_396] : memref<1024xi32, #tpu.memory_space<vmem>> -> memref<64xi32, #tpu.memory_space<vmem>>
      %dma_wait3A_412 = arith.constant 0 : i32
      %dma_wait3A_413 = arith.constant 0 : i32
      %dma_wait3A_414 = tpu.memref_slice %arg4[%dma_wait3A_412, %dma_wait3A_413] : memref<8192x128xf32, #tpu.memory_space<hbm>> -> memref<8192x128xf32, #tpu.memory_space<hbm>>
      tpu.wait_indirect_dma semaphore(%arg17 : memref<!tpu.dma_semaphore, #tpu.memory_space<semaphore_mem>>) src(%dma_wait3A_414 : memref<8192x128xf32, #tpu.memory_space<hbm>>) dst(%dma_wait3A_410 : memref<64x128xf32, #tpu.memory_space<vmem>>)
      %sub3A_415 = arith.constant 1 : i32
      %sub3A_416 = arith.subi %add3A_394, %sub3A_415 : i32
      %mul3A_417 = arith.constant 1024 : i32
      %mul3A_418 = arith.muli %add3A, %mul3A_417 : i32
      %mul3A_419 = arith.constant 64 : i32
      %mul3A_420 = arith.muli %sub3A_416, %mul3A_419 : i32
      %add3A_421 = arith.addi %mul3A_418, %mul3A_420 : i32
      %dma_wait3A_422 = arith.constant 2 : i32
      %dma_wait3A_423 = arith.constant 0 : i32
      %dma_wait3A_424 = arith.constant 0 : i32
      %dma_wait3A_425 = tpu.memref_slice %arg8[%dma_wait3A_422, %dma_wait3A_423, %dma_wait3A_424] : memref<4x64x128xf32, #tpu.memory_space<vmem>> -> memref<1x64x128xf32, #tpu.memory_space<vmem>>
      %dma_wait3A_426 = tpu.memref_squeeze %dma_wait3A_425 : memref<1x64x128xf32, #tpu.memory_space<vmem>> -> memref<64x128xf32, #tpu.memory_space<vmem>>
      %dma_wait3A_427 = arith.constant 0 : i32
      %dma_wait3A_428 = tpu.memref_slice %arg5[%add3A_421, %dma_wait3A_427] : memref<32768x128xf32, #tpu.memory_space<hbm>> -> memref<64x128xf32, #tpu.memory_space<hbm>>
      %dma_wait3A_429 = arith.constant 0 : i32
      %dma_wait3A_430 = tpu.memref_slice %arg5[%add3A_421, %dma_wait3A_429] : memref<32768x128xf32, #tpu.memory_space<hbm>> -> memref<64x128xf32, #tpu.memory_space<hbm>>
      %dma_wait3A_431 = arith.constant 0 : i32
      %dma_wait3A_432 = arith.constant 0 : i32
      %dma_wait3A_433 = tpu.memref_slice %arg8[%dma_wait3A_422, %dma_wait3A_431, %dma_wait3A_432] : memref<4x64x128xf32, #tpu.memory_space<vmem>> -> memref<1x64x128xf32, #tpu.memory_space<vmem>>
      %dma_wait3A_434 = tpu.memref_squeeze %dma_wait3A_433 : memref<1x64x128xf32, #tpu.memory_space<vmem>> -> memref<64x128xf32, #tpu.memory_space<vmem>>
      tpu.wait_dma2 semaphore(%arg20 : memref<!tpu.dma_semaphore, #tpu.memory_space<semaphore_mem>>) src(%dma_wait3A_434 : memref<64x128xf32, #tpu.memory_space<vmem>>) dst(%dma_wait3A_430 : memref<64x128xf32, #tpu.memory_space<hbm>>)
      %dma_wait3A_435 = arith.constant 2 : i32
      %dma_wait3A_436 = arith.constant 0 : i32
      %dma_wait3A_437 = arith.constant 0 : i32
      %dma_wait3A_438 = tpu.memref_slice %arg9[%dma_wait3A_435, %dma_wait3A_436, %dma_wait3A_437] : memref<4x64x128xf32, #tpu.memory_space<vmem>> -> memref<1x64x128xf32, #tpu.memory_space<vmem>>
      %dma_wait3A_439 = tpu.memref_squeeze %dma_wait3A_438 : memref<1x64x128xf32, #tpu.memory_space<vmem>> -> memref<64x128xf32, #tpu.memory_space<vmem>>
      %dma_wait3A_440 = arith.constant 0 : i32
      %dma_wait3A_441 = tpu.memref_slice %arg6[%add3A_421, %dma_wait3A_440] : memref<32768x128xf32, #tpu.memory_space<hbm>> -> memref<64x128xf32, #tpu.memory_space<hbm>>
      %dma_wait3A_442 = arith.constant 0 : i32
      %dma_wait3A_443 = tpu.memref_slice %arg6[%add3A_421, %dma_wait3A_442] : memref<32768x128xf32, #tpu.memory_space<hbm>> -> memref<64x128xf32, #tpu.memory_space<hbm>>
      %dma_wait3A_444 = arith.constant 0 : i32
      %dma_wait3A_445 = arith.constant 0 : i32
      %dma_wait3A_446 = tpu.memref_slice %arg9[%dma_wait3A_435, %dma_wait3A_444, %dma_wait3A_445] : memref<4x64x128xf32, #tpu.memory_space<vmem>> -> memref<1x64x128xf32, #tpu.memory_space<vmem>>
      %dma_wait3A_447 = tpu.memref_squeeze %dma_wait3A_446 : memref<1x64x128xf32, #tpu.memory_space<vmem>> -> memref<64x128xf32, #tpu.memory_space<vmem>>
      tpu.wait_dma2 semaphore(%arg24 : memref<!tpu.dma_semaphore, #tpu.memory_space<semaphore_mem>>) src(%dma_wait3A_447 : memref<64x128xf32, #tpu.memory_space<vmem>>) dst(%dma_wait3A_443 : memref<64x128xf32, #tpu.memory_space<hbm>>)
      %lt3A_448 = arith.constant 3 : i32
      %lt3A_449 = arith.cmpi slt, %scan3A_125, %lt3A_448 : i32
      %convert_element_type3A_450 = arith.extui %lt3A_449 : i1 to i32
      %cond3A_451 = arith.constant 0 : i32
      %cond3A_452 = arith.cmpi ne, %convert_element_type3A_450, %cond3A_451 : i32
      scf.if %cond3A_452 {
        %add3A_484 = arith.constant 3 : i32
        %add3A_485 = arith.addi %add3A_394, %add3A_484 : i32
        %mul3A_486 = arith.constant 64 : i32
        %mul3A_487 = arith.muli %add3A_485, %mul3A_486 : i32
        %dma_start3A_488 = arith.constant 2 : i32
        %dma_start3A_489 = arith.constant 0 : i32
        %dma_start3A_490 = arith.constant 0 : i32
        %dma_start3A_491 = tpu.memref_slice %arg8[%dma_start3A_488, %dma_start3A_489, %dma_start3A_490] : memref<4x64x128xf32, #tpu.memory_space<vmem>> -> memref<1x64x128xf32, #tpu.memory_space<vmem>>
        %dma_start3A_492 = tpu.memref_squeeze %dma_start3A_491 : memref<1x64x128xf32, #tpu.memory_space<vmem>> -> memref<64x128xf32, #tpu.memory_space<vmem>>
        %dma_start3A_493 = tpu.memref_slice %arg7[%mul3A_487] : memref<1024xi32, #tpu.memory_space<vmem>> -> memref<64xi32, #tpu.memory_space<vmem>>
        %dma_start3A_494 = arith.constant 0 : i32
        %dma_start3A_495 = arith.constant 0 : i32
        %dma_start3A_496 = tpu.memref_slice %arg3[%dma_start3A_494, %dma_start3A_495] : memref<8192x128xf32, #tpu.memory_space<hbm>> -> memref<8192x128xf32, #tpu.memory_space<hbm>>
        tpu.enqueue_indirect_dma source(%dma_start3A_496 : memref<8192x128xf32, #tpu.memory_space<hbm>>) target(%dma_start3A_492 : memref<64x128xf32, #tpu.memory_space<vmem>>) offsets(%dma_start3A_493 : memref<64xi32, #tpu.memory_space<vmem>>) semaphore(%arg12 : memref<!tpu.dma_semaphore, #tpu.memory_space<semaphore_mem>>)
        %dma_start3A_497 = arith.constant 2 : i32
        %dma_start3A_498 = arith.constant 0 : i32
        %dma_start3A_499 = arith.constant 0 : i32
        %dma_start3A_500 = tpu.memref_slice %arg9[%dma_start3A_497, %dma_start3A_498, %dma_start3A_499] : memref<4x64x128xf32, #tpu.memory_space<vmem>> -> memref<1x64x128xf32, #tpu.memory_space<vmem>>
        %dma_start3A_501 = tpu.memref_squeeze %dma_start3A_500 : memref<1x64x128xf32, #tpu.memory_space<vmem>> -> memref<64x128xf32, #tpu.memory_space<vmem>>
        %dma_start3A_502 = tpu.memref_slice %arg7[%mul3A_487] : memref<1024xi32, #tpu.memory_space<vmem>> -> memref<64xi32, #tpu.memory_space<vmem>>
        %dma_start3A_503 = arith.constant 0 : i32
        %dma_start3A_504 = arith.constant 0 : i32
        %dma_start3A_505 = tpu.memref_slice %arg4[%dma_start3A_503, %dma_start3A_504] : memref<8192x128xf32, #tpu.memory_space<hbm>> -> memref<8192x128xf32, #tpu.memory_space<hbm>>
        tpu.enqueue_indirect_dma source(%dma_start3A_505 : memref<8192x128xf32, #tpu.memory_space<hbm>>) target(%dma_start3A_501 : memref<64x128xf32, #tpu.memory_space<vmem>>) offsets(%dma_start3A_502 : memref<64xi32, #tpu.memory_space<vmem>>) semaphore(%arg16 : memref<!tpu.dma_semaphore, #tpu.memory_space<semaphore_mem>>)
      } else {
      }
      %mul3A_453 = arith.constant 1024 : i32
      %mul3A_454 = arith.muli %add3A, %mul3A_453 : i32
      %mul3A_455 = arith.constant 64 : i32
      %mul3A_456 = arith.muli %add3A_394, %mul3A_455 : i32
      %add3A_457 = arith.addi %mul3A_454, %mul3A_456 : i32
      %dma_start3A_458 = arith.constant 3 : i32
      %dma_start3A_459 = arith.constant 0 : i32
      %dma_start3A_460 = arith.constant 0 : i32
      %dma_start3A_461 = tpu.memref_slice %arg8[%dma_start3A_458, %dma_start3A_459, %dma_start3A_460] : memref<4x64x128xf32, #tpu.memory_space<vmem>> -> memref<1x64x128xf32, #tpu.memory_space<vmem>>
      %dma_start3A_462 = tpu.memref_squeeze %dma_start3A_461 : memref<1x64x128xf32, #tpu.memory_space<vmem>> -> memref<64x128xf32, #tpu.memory_space<vmem>>
      %dma_start3A_463 = arith.constant 0 : i32
      %dma_start3A_464 = tpu.memref_slice %arg5[%add3A_457, %dma_start3A_463] : memref<32768x128xf32, #tpu.memory_space<hbm>> -> memref<64x128xf32, #tpu.memory_space<hbm>>
      %dma_start3A_465 = arith.constant 0 : i32
      %dma_start3A_466 = tpu.memref_slice %arg5[%add3A_457, %dma_start3A_465] : memref<32768x128xf32, #tpu.memory_space<hbm>> -> memref<64x128xf32, #tpu.memory_space<hbm>>
      %dma_start3A_467 = arith.constant 0 : i32
      %dma_start3A_468 = arith.constant 0 : i32
      %dma_start3A_469 = tpu.memref_slice %arg8[%dma_start3A_458, %dma_start3A_467, %dma_start3A_468] : memref<4x64x128xf32, #tpu.memory_space<vmem>> -> memref<1x64x128xf32, #tpu.memory_space<vmem>>
      %dma_start3A_470 = tpu.memref_squeeze %dma_start3A_469 : memref<1x64x128xf32, #tpu.memory_space<vmem>> -> memref<64x128xf32, #tpu.memory_space<vmem>>
      tpu.enqueue_dma source(%dma_start3A_470 : memref<64x128xf32, #tpu.memory_space<vmem>>) target(%dma_start3A_466 : memref<64x128xf32, #tpu.memory_space<hbm>>) target_semaphore(%arg21 : memref<!tpu.dma_semaphore, #tpu.memory_space<semaphore_mem>>)
      %dma_start3A_471 = arith.constant 3 : i32
      %dma_start3A_472 = arith.constant 0 : i32
      %dma_start3A_473 = arith.constant 0 : i32
      %dma_start3A_474 = tpu.memref_slice %arg9[%dma_start3A_471, %dma_start3A_472, %dma_start3A_473] : memref<4x64x128xf32, #tpu.memory_space<vmem>> -> memref<1x64x128xf32, #tpu.memory_space<vmem>>
      %dma_start3A_475 = tpu.memref_squeeze %dma_start3A_474 : memref<1x64x128xf32, #tpu.memory_space<vmem>> -> memref<64x128xf32, #tpu.memory_space<vmem>>
      %dma_start3A_476 = arith.constant 0 : i32
      %dma_start3A_477 = tpu.memref_slice %arg6[%add3A_457, %dma_start3A_476] : memref<32768x128xf32, #tpu.memory_space<hbm>> -> memref<64x128xf32, #tpu.memory_space<hbm>>
      %dma_start3A_478 = arith.constant 0 : i32
      %dma_start3A_479 = tpu.memref_slice %arg6[%add3A_457, %dma_start3A_478] : memref<32768x128xf32, #tpu.memory_space<hbm>> -> memref<64x128xf32, #tpu.memory_space<hbm>>
      %dma_start3A_480 = arith.constant 0 : i32
      %dma_start3A_481 = arith.constant 0 : i32
      %dma_start3A_482 = tpu.memref_slice %arg9[%dma_start3A_471, %dma_start3A_480, %dma_start3A_481] : memref<4x64x128xf32, #tpu.memory_space<vmem>> -> memref<1x64x128xf32, #tpu.memory_space<vmem>>
      %dma_start3A_483 = tpu.memref_squeeze %dma_start3A_482 : memref<1x64x128xf32, #tpu.memory_space<vmem>> -> memref<64x128xf32, #tpu.memory_space<vmem>>
      tpu.enqueue_dma source(%dma_start3A_483 : memref<64x128xf32, #tpu.memory_space<vmem>>) target(%dma_start3A_479 : memref<64x128xf32, #tpu.memory_space<hbm>>) target_semaphore(%arg25 : memref<!tpu.dma_semaphore, #tpu.memory_space<semaphore_mem>>)
    }
    %scan3A_95 = arith.constant 4 : i32
    %mul3A_96 = arith.constant 1024 : i32
    %mul3A_97 = arith.muli %add3A, %mul3A_96 : i32
    %add3A_98 = arith.constant 960 : i32
    %add3A_99 = arith.addi %mul3A_97, %add3A_98 : i32
    %dma_wait3A = arith.constant 3 : i32
    %dma_wait3A_100 = arith.constant 0 : i32
    %dma_wait3A_101 = arith.constant 0 : i32
    %dma_wait3A_102 = tpu.memref_slice %arg8[%dma_wait3A, %dma_wait3A_100, %dma_wait3A_101] : memref<4x64x128xf32, #tpu.memory_space<vmem>> -> memref<1x64x128xf32, #tpu.memory_space<vmem>>
    %dma_wait3A_103 = tpu.memref_squeeze %dma_wait3A_102 : memref<1x64x128xf32, #tpu.memory_space<vmem>> -> memref<64x128xf32, #tpu.memory_space<vmem>>
    %dma_wait3A_104 = arith.constant 0 : i32
    %dma_wait3A_105 = tpu.memref_slice %arg5[%add3A_99, %dma_wait3A_104] : memref<32768x128xf32, #tpu.memory_space<hbm>> -> memref<64x128xf32, #tpu.memory_space<hbm>>
    %dma_wait3A_106 = arith.constant 0 : i32
    %dma_wait3A_107 = tpu.memref_slice %arg5[%add3A_99, %dma_wait3A_106] : memref<32768x128xf32, #tpu.memory_space<hbm>> -> memref<64x128xf32, #tpu.memory_space<hbm>>
    %dma_wait3A_108 = arith.constant 0 : i32
    %dma_wait3A_109 = arith.constant 0 : i32
    %dma_wait3A_110 = tpu.memref_slice %arg8[%dma_wait3A, %dma_wait3A_108, %dma_wait3A_109] : memref<4x64x128xf32, #tpu.memory_space<vmem>> -> memref<1x64x128xf32, #tpu.memory_space<vmem>>
    %dma_wait3A_111 = tpu.memref_squeeze %dma_wait3A_110 : memref<1x64x128xf32, #tpu.memory_space<vmem>> -> memref<64x128xf32, #tpu.memory_space<vmem>>
    tpu.wait_dma2 semaphore(%arg21 : memref<!tpu.dma_semaphore, #tpu.memory_space<semaphore_mem>>) src(%dma_wait3A_111 : memref<64x128xf32, #tpu.memory_space<vmem>>) dst(%dma_wait3A_107 : memref<64x128xf32, #tpu.memory_space<hbm>>)
    %dma_wait3A_112 = arith.constant 3 : i32
    %dma_wait3A_113 = arith.constant 0 : i32
    %dma_wait3A_114 = arith.constant 0 : i32
    %dma_wait3A_115 = tpu.memref_slice %arg9[%dma_wait3A_112, %dma_wait3A_113, %dma_wait3A_114] : memref<4x64x128xf32, #tpu.memory_space<vmem>> -> memref<1x64x128xf32, #tpu.memory_space<vmem>>
    %dma_wait3A_116 = tpu.memref_squeeze %dma_wait3A_115 : memref<1x64x128xf32, #tpu.memory_space<vmem>> -> memref<64x128xf32, #tpu.memory_space<vmem>>
    %dma_wait3A_117 = arith.constant 0 : i32
    %dma_wait3A_118 = tpu.memref_slice %arg6[%add3A_99, %dma_wait3A_117] : memref<32768x128xf32, #tpu.memory_space<hbm>> -> memref<64x128xf32, #tpu.memory_space<hbm>>
    %dma_wait3A_119 = arith.constant 0 : i32
    %dma_wait3A_120 = tpu.memref_slice %arg6[%add3A_99, %dma_wait3A_119] : memref<32768x128xf32, #tpu.memory_space<hbm>> -> memref<64x128xf32, #tpu.memory_space<hbm>>
    %dma_wait3A_121 = arith.constant 0 : i32
    %dma_wait3A_122 = arith.constant 0 : i32
    %dma_wait3A_123 = tpu.memref_slice %arg9[%dma_wait3A_112, %dma_wait3A_121, %dma_wait3A_122] : memref<4x64x128xf32, #tpu.memory_space<vmem>> -> memref<1x64x128xf32, #tpu.memory_space<vmem>>
    %dma_wait3A_124 = tpu.memref_squeeze %dma_wait3A_123 : memref<1x64x128xf32, #tpu.memory_space<vmem>> -> memref<64x128xf32, #tpu.memory_space<vmem>>
    tpu.wait_dma2 semaphore(%arg25 : memref<!tpu.dma_semaphore, #tpu.memory_space<semaphore_mem>>) src(%dma_wait3A_124 : memref<64x128xf32, #tpu.memory_space<vmem>>) dst(%dma_wait3A_120 : memref<64x128xf32, #tpu.memory_space<hbm>>)
    return
  }
}

</mosaic_0001>

<sc_bundles>
// kernel: kernel.3.cloned.1.call-start
scs
__scs_entry_jumppad:
0x0: {  	(pc) =	sbr.rel $0x88, $3  }
0x1: {  	(tag) =	ssettag $0x0;
	lr =	simm.s32 $0x1  }
0x2: {  	[smem:$0x3F9E] =	sst lr;
	_ =	strace $0xD0000000  }
0x3: {  	_ = 	snop  }
0x4: {  	_ = 	snop  }
0x5: {  	_ = 	snop  }
0x6: {  	_ = 	snop  }
0x7: {  	_ = 	snop  }
__scs_overlays_trampoline_lowered:
0x8: {  	[smem:$0x3FAD] =	sst s0  }
0x9: {  	[smem:$0x3FAE] =	sst s1  }
0xa: {  	[smem:$0x3FAF] =	sst s2  }
0xb: {  	[smem:$0x3FB0] =	sst s3  }
0xc: {  	[smem:$0x3FB1] =	sst s4  }
0xd: {  	[smem:$0x3FB2] =	sst s5  }
0xe: {  	[smem:$0x3FB3] =	sst s6  }
0xf: {  	[smem:$0x3FB4] =	sst s7  }
0x10: {  	[smem:$0x3FB5] =	sst s8  }
0x11: {  	[smem:$0x3FB6] =	sst s9;
	s0 =	simm.s32 @!p0 $0x0  }
0x12: {  	s1 =	sld [smem:$0x3F9C];
	s0 =	simm.s32 @p0 $0x1  }
0x13: {  	[smem:$0x3FB7] =	sst s0;
	s0 =	simm.s32 @!p1 $0x0  }
0x14: {  	s2 =	sld [smem:$0x3F9B];
	s0 =	simm.s32 @p1 $0x1  }
0x15: {  	[smem:$0x3FB8] =	sst s0;
	s0 =	simm.s32 @!p2 $0x0  }
0x16: {  	s3 =	sld [smem:$0x3FDB];
	s0 =	simm.s32 @p2 $0x1  }
0x17: {  	s4 =	simm.s32 $0x1BF5;
	[smem:$0x3FBA] =	sst s0  }
0x18: {  	s0 =	sld [smem:$0x3F9D];
	_ =	swait.ge [sflag:s4], $0x0  }
0x19: {  	s7 =	sld [smem:$0x3F9E]  }
0x1a: {  	s8 =	sadd.s32 $0xFFFFE003, lr  }
0x1b: {  	s9 =	sadd.s32 $0xFFFFFEF7, lr;
	s5 =	simm.s32 $0xFFFFFFFF;
	p2 =	slt.u32 s8, $0xFFFFF086  }
0x1c: {  	p1 =	slt.u32 s9, $0xF7A;
	s5 =	simm.s32 @!p2 $0x0  }
0x1d: {  	s5 =	simm.s32 @p1 $0x1;
	p0 =	seq.s32 s7, s2  }
0x1e: {  	s7 =	smul.u32 @!p0 $0xF7A, s2;
	p2 =	seq.s32 @!p0 s5, $0x0  }
0x1f: {  	s9 =	smul.u32 $0xF7A, s1;
	s8 =	simm.s32 @!p0 $0x1BF5;
	p2 =	por !p2, p0  }
0x20: {  	[sflag:s8] =	ssyncset.s32 @!p0 $0xFFFFF086;
	s6 =	sadd.s32 @!p0 s3, s7;
	s7 =	simm.s32 @!p0 $0x108  }
0x21: {  	s3 =	sadd.s32 s3, s9;
	s6 =	sadd.s32 @!p0 $0x88, s6;
	s7 =	simm.s32 @p2 $0x1082  }
0x22: {  	[simem:s7], [sflag:s8] =	dma.local @!p0 [hbm:s6], $0xF7A  }
0x23: {  	s9 =	sor.u32 $0xD0000000, s2;
	s6 =	simm.s32 $0x108;
	_ =	swait.ge @!p0 [sflag:s8], $0x0  }
0x24: {  	s3 =	sadd.s32 $0x88, s3;
	s6 =	simm.s32 @!p1 $0x1082;
	[sflag:s4] =	ssyncset.s32 $0xFFFFF086  }
0x25: {  	[simem:s6], [sflag:s4] =	dma.local [hbm:s3], $0xF7A  }
0x26: {  	[smem:$0x3F9E] =	sst s1;
	(tag) =	ssettag s2;
	_ =	strace s9  }
0x27: {  	s1 =	sld [smem:$0x3FAE]  }
0x28: {  	s2 =	sld [smem:$0x3FAF]  }
0x29: {  	s4 =	sld [smem:$0x3FB1]  }
0x2a: {  	p0 =	seq.s32 s5, $0x0;
	s5 =	sld [smem:$0x3FB2]  }
0x2b: {  	s6 =	sld [smem:$0x3FB3]  }
0x2c: {  	s7 =	sld [smem:$0x3FB4]  }
0x2d: {  	s3 =	simm.s32 $0x108;
	s8 =	sld [smem:$0x3FB5]  }
0x2e: {  	s3 =	simm.s32 @!p0 $0x1082;
	s9 =	sld [smem:$0x3FB6]  }
0x2f: {  	lr =	sadd.s32 s0, s3;
	s0 =	sld [smem:$0x3FAD]  }
0x30: {  	s3 =	sld [smem:$0x3FB0]  }
0x31: {  	[smem:$0x3FB9] =	sst s10  }
0x32: {  	s10 =	sld [smem:$0x3FB7];
	_ =	sdelay $0x3  }
0x33: {  	p0 =	seq.s32 s10, $0x1;
	s10 =	sld [smem:$0x3FB9];
	_ =	sdelay $0x3  }
0x34: {  	[smem:$0x3FB9] =	sst s10  }
0x35: {  	s10 =	sld [smem:$0x3FB8];
	_ =	sdelay $0x3  }
0x36: {  	p1 =	seq.s32 s10, $0x1;
	s10 =	sld [smem:$0x3FB9];
	_ =	sdelay $0x3  }
0x37: {  	[smem:$0x3FB9] =	sst s10  }
0x38: {  	s10 =	sld [smem:$0x3FBA]  }
0x39: {  	_ = 	snop;
	(pc) =	sbr.ind lr, $3  }
0x3a: {  	_ = 	snop  }
0x3b: {  	_ = 	snop  }
0x3c: {  	p2 =	seq.s32 s10, $0x1;
	s10 =	sld [smem:$0x3FB9]  }
0x3d: {  	_ =	shalt  }
0x3e: {  	_ =	shalt  }
0x3f: {  	_ =	shalt  }
0x40: {  	_ =	shalt  }
0x41: {  	_ =	shalt  }
0x42: {  	_ =	shalt  }
0x43: {  	_ =	shalt  }
0x44: {  	_ =	shalt  }
0x45: {  	_ =	shalt  }
0x46: {  	_ =	shalt  }
0x47: {  	_ =	shalt  }
0x48: {  	_ =	shalt  }
0x49: {  	_ =	shalt  }
0x4a: {  	_ =	shalt  }
0x4b: {  	_ =	shalt  }
0x4c: {  	_ =	shalt  }
0x4d: {  	_ =	shalt  }
0x4e: {  	_ =	shalt  }
0x4f: {  	_ =	shalt  }
0x50: {  	_ =	shalt  }
0x51: {  	_ =	shalt  }
0x52: {  	_ =	shalt  }
0x53: {  	_ =	shalt  }
0x54: {  	_ =	shalt  }
0x55: {  	_ =	shalt  }
0x56: {  	_ =	shalt  }
0x57: {  	_ =	shalt  }
0x58: {  	_ =	shalt  }
0x59: {  	_ =	shalt  }
0x5a: {  	_ =	shalt  }
0x5b: {  	_ =	shalt  }
0x5c: {  	_ =	shalt  }
0x5d: {  	_ =	shalt  }
0x5e: {  	_ =	shalt  }
0x5f: {  	_ =	shalt  }
0x60: {  	_ =	shalt  }
0x61: {  	_ =	shalt  }
0x62: {  	_ =	shalt  }
0x63: {  	_ =	shalt  }
0x64: {  	_ =	shalt  }
0x65: {  	_ =	shalt  }
0x66: {  	_ =	shalt  }
0x67: {  	_ =	shalt  }
0x68: {  	_ =	shalt  }
0x69: {  	_ =	shalt  }
0x6a: {  	_ =	shalt  }
0x6b: {  	_ =	shalt  }
0x6c: {  	_ =	shalt  }
0x6d: {  	_ =	shalt  }
0x6e: {  	_ =	shalt  }
0x6f: {  	_ =	shalt  }
0x70: {  	_ =	shalt  }
0x71: {  	_ =	shalt  }
0x72: {  	_ =	shalt  }
0x73: {  	_ =	shalt  }
0x74: {  	_ =	shalt  }
0x75: {  	_ =	shalt  }
0x76: {  	_ =	shalt  }
0x77: {  	_ =	shalt  }
0x78: {  	_ =	shalt  }
0x79: {  	_ =	shalt  }
0x7a: {  	_ =	shalt  }
0x7b: {  	_ =	shalt  }
0x7c: {  	_ =	shalt  }
0x7d: {  	_ =	shalt  }
0x7e: {  	_ =	shalt  }
0x7f: {  	_ =	shalt  }
0x80: {  	_ =	shalt  }
0x81: {  	_ =	shalt  }
0x82: {  	_ =	shalt  }
0x83: {  	_ =	shalt  }
0x84: {  	_ =	shalt  }
0x85: {  	_ =	shalt  }
0x86: {  	_ =	shalt  }
0x87: {  	_ =	shalt  }
.Lfunc_end0:
.L_simem_size_0:
called_computation_lowered:
.L_overlay_start_0:
0x88: {  	s2 =	sld [smem:$0x3FD9]  }
0x89: {  	s3 =	sld [smem:$0x3FFE];
	_ =	sdelay $0x1  }
0x8a: {  	s1 =	srdreg.scid  }
0x8b: {  	s0 =	sand.u32 $0x1, s1  }
0x8c: {  	s15 =	sshll.u32 s0, $0xA;
	s2 =	sadd.s32 s3, s2  }
0x8d: {  	s2 =	sadd.s32 s2, s15  }
0x8e: {  	[smem:$0x3FC5] =	sst s2  }
0x8f: {  	_ = 	snop  }
0x90: {  	s2 =	sld [smem:$0x3FD0]  }
0x91: {  	s16 =	sld [smem:$0x3FC9]  }
0x92: {  	s4 =	sld [smem:$0x3FC8]  }
0x93: {  	s6 =	simm.s32 $0xA;
	s7 =	simm.s32 $0x10;
	s5 =	sld [smem:$0x3FC7]  }
0x94: {  	[smem:s7], [sflag:s6] =	dma.local [hbm:s2], $0x1  }
0x95: {  	_ =	swait.eq [sflag:s6], $0x1  }
0x96: {  	[sflag:s6] =	ssyncset.done $0x0  }
0x97: {  	s17 =	sld [smem:$0x10];
	[sflag:s6] =	ssyncadd.s32 $0xFFFFFFFF  }
0x98: {  	s18 =	sld [smem:$0x11];
	(tm) =	ssettm $0x1  }
0x99: {  	s19 =	sld [smem:$0x3FFB];
	_ =	sdelay $0x3  }
0x9a: {  	_ =	strace s19  }
0x9b: {  	s7 =	sld [smem:$0x3FFC];
	_ =	sdelay $0x3  }
0x9c: {  	_ =	strace s7  }
0x9d: {  	s7 =	sld [smem:$0x3FFD];
	_ =	sdelay $0x3  }
0x9e: {  	_ =	strace s7  }
0x9f: {  	_ =	strace $0x8FFFFFFF  }
0xa0: {  	s20 =	sld [smem:$0x3FDB];
	_ =	sdelay $0x1  }
0xa1: {  	s8 =	simm.s32 $_scs_section_size  }
0xa2: {  	s9 =	simm.s32 $_size__tile_overlayer_lowered;
	s10 =	simm.s32 $_tile_overlayer_lowered  }
0xa3: {  	s23 =	simm.s32 $0x1BFF;
	s22 =	sshll.u32 s10, $0x1;
	s7 =	sadd.s32 s8, s20  }
0xa4: {  	s11 =	simm.s32 $0x0;
	s21 =	sshll.u32 s9, $0x1;
	s9 =	sadd.s32 s22, s7  }
0xa5: {  	[timem:s11], [sflag:s23] =	dma.local [hbm:s9], s21  }
0xa6: {  	_ =	swait.ge [sflag:s23], s21  }
0xa7: {  	s8 =	ssub.s32 $0x0, s21;
	[sflag:s23] =	ssyncset.done $0x0  }
0xa8: {  	[sflag:s23] =	ssyncadd.s32 s8;
	_ =	sdelay $0x1  }
0xa9: {  	s24 =	simm.s32 $0x1B8B  }
0xaa: {  	_ =	swait.ge [sflag:s24], $0x1  }
0xab: {  	[sflag:s24] =	ssyncset.done $0x0  }
0xac: {  	s25 =	simm.s32 $0x1B8E;
	[sflag:s24] =	ssyncadd.s32 $0xFFFFFFFF  }
0xad: {  	s26 =	simm.s32 $execute0_lowered;
	[smem:$0x3FD2] =	sst s25  }
0xae: {  	s8 =	sshll.u32 s26, $0x1;
	_ =	strace $0x80000046;
	[dreg:$0x1] =	wrdreg $0xFFFFFFFF  }
0xaf: {  	s28 =	simm.s32 $_size_execute0_lowered;
	s7 =	sadd.s32 s7, s8;
	[dreg:$0x0] =	wrdreg $0x0  }
0xb0: {  	s8 =	sshll.u32 s28, $0x1;
	[dreg:$0x2] =	wrdreg s7  }
0xb1: {  	[dreg:$0x3] =	wrdreg s8  }
0xb2: {  	[dreg:$0x4] =	wrdreg $0xC0  }
0xb3: {  	_ =	task [dreg:s11], $0x5FFFF  }
0xb4: {  	[dreg:$0x1] =	wrdreg $0xFFFFFFFF  }
0xb5: {  	[dreg:$0x0] =	wrdreg $0x60  }
0xb6: {  	[dreg:$0x2] =	wrdreg s16  }
0xb7: {  	[dreg:$0x3] =	wrdreg s4  }
0xb8: {  	[dreg:$0x4] =	wrdreg s5  }
0xb9: {  	[dreg:$0x5] =	wrdreg s17  }
0xba: {  	[dreg:$0x6] =	wrdreg s18  }
0xbb: {  	[dreg:$0x7] =	wrdreg $0x9  }
0xbc: {  	_ =	task.clear_ibuf [dreg:s11], $0x8FFFF;
	_ =	strace $0x90000046  }
0xbd: {  	s29 =	simm.s32 $0x9;
	_ =	strace $0x80000048  }
0xbe: {  	_ =	swait.ge [sflag:s29], $0x1  }
0xbf: {  	[sflag:s29] =	ssyncadd.s32 $0xFFFFFFFF  }
0xc0: {  	_ =	strace $0x90000048  }
0xc1: {  	_ =	sfence  }
0xc2: {  	s30 =	sld [smem:$0x0];
	_ =	sdelay $0x2  }
0xc3: {  	s31 =	sshll.u32 s1, $0xD;
	s1 =	sshrl.u32 s1, $0x2  }
0xc4: {  	s3 =	sand.u32 $0x4000, s31;
	s1 =	sadd.s32 s1, s30  }
0xc5: {  	s0 =	sor.u32 s3, s0;
	s1 =	sshll.u32 s1, $0x11  }
0xc6: {  	s0 =	sor.u32 s1, s0  }
0xc7: {  	s0 =	sadd.s32 $0x8F2B, s0  }
0xc8: {  	[sflag:s0] =	ssyncadd.remote.s32 $0x1  }
0xc9: {  	_ =	sfence.sel $0xFFFF  }
0xca: {  	[dreg:$0x0] =	wrdreg $0xFFFFFFFF;
	(pc) =	sbr.abs _section_cstart, $3  }
0xcb: {  	[dreg:$0x1] =	wrdreg $0xFFFFFFFF  }
0xcc: {  	_ =	task.clear_ibuf [dreg:s11], $0x2FFFF;
	_ =	strace $0x9FFFFFFF  }
0xcd: {  	(tm) =	ssettm $0x7FFFFFFF  }
tec
execute0_lowered:
.L_overlay_start_1:
0x0: {  	(tag) =	ssettag $0x1  }
0x1: {  	s0 =	rddreg [dreg:$0x0]  }
0x2: {  	s1 =	rddreg [dreg:$0x1]  }
0x3: {  	s2 =	rddreg [dreg:$0x2]  }
0x4: {  	s4 =	rddreg [dreg:$0x3]  }
0x5: {  	s5 =	rddreg [dreg:$0x4];
	s3 =	simm.s32 $0x0  }
0x6: {  	s6 =	srdreg.scid;
	s11 =	stileid.u32;
	s12 =	simm.s32 $0x400  }
0x7: {  	s13 =	simm.s32 $0x8400;
	s14 =	simm.s32 $0xA400;
	s15 =	simm.s32 $0x4400  }
0x8: {  	s16 =	simm.s32 $0xC400;
	s17 =	simm.s32 $0x1;
	s18 =	simm.s32 $0x5  }
0x9: {  	s19 =	simm.s32 $0x6400;
	s20 =	simm.s32 $0xE400;
	s28 =	simm.s32 $0xA  }
0xa: {  	s29 =	simm.s32 $0xE;
	s30 =	simm.s32 $0x4;
	s31 =	simm.s32 $0x8  }
0xb: {  	[smem:$0x7FF] =	sst s3;
	s6 =	sand.u32 $0x1, s6;
	s9 =	sshll.u32 s11, $0xA  }
0xc: {  	s22 =	sshll.u32 s11, $0x2;
	s23 =	sshll.u32 s11, $0xF;
	s11 =	simm.s32 $0x2400  }
0xd: {  	_ =	strace $0x80000047;
	s7 =	ssub.s32 $0x2, s6;
	s10 =	sshll.u32 s6, $0x9  }
0xe: {  	s5 =	sadd.s32 s23, s5;
	s6 =	sshll.u32 s6, $0xE;
	s4 =	sadd.s32 s23, s4  }
0xf: {  	s23 =	simm.s32 $0x9;
	s8 =	sshrl.u32 s7, $0x1;
	s21 =	sor.u32 s10, s9  }
0x10: {  	s9 =	sand.u32 $0x30, s22;
	s24 =	sadd.s32 s6, s5;
	s26 =	sadd.s32 s6, s4  }
0x11: {  	s10 =	simm.s32 $0x40;
	s22 =	simm.s32 $0x6;
	s4 =	simm.s32 $0xF  }
0x12: {  	s7 =	ssub.s32 s7, s8;
	s8 =	sand.u32 $0xE00, s21;
	[dreg:$0x6] =	wrdreg s24  }
0x13: {  	s0 =	sadd.s32 s0, s9;
	[dreg:$0x7] =	wrdreg s26;
	s21 =	simm.s32 $0x2  }
0x14: {  	s24 =	simm.s32 $0xD;
	s26 =	simm.s32 $0x7;
	s0 =	sadd.s32 s8, s0  }
0x15: {  	s25 =	smax.u32 s7, $0x1;
	s7 =	simm.s32 $0x0;
	[dreg:$0x8] =	wrdreg s0  }
0x16: {  	[dreg:$0x9] =	wrdreg s25;
	s25 =	simm.s32 $0x3;
	s0 =	simm.s32 $0xB  }
.LBB2_1:
0x17: {  	[dreg:$0xa] =	wrdreg s7  }
0x18: {  	s5 =	rddreg [dreg:$0x8]  }
0x19: {  	s6 =	simm.s32 $0x80;
	s8 =	simm.s32 $0x200;
	s9 =	simm.s32 $0x11  }
0x1a: {  	[tilespmem:s3], [sflag:$0x11] =	stream.strided.gather [hbm4b:s5+s6], $0x400, s8, s6, $0x38;
	[tilespmem:$0x10400] =	vst v63  }
0x1b: {  	_ =	swait.ge [sflag:s9], $0x400  }
0x1c: {  	[sflag:s9] =	ssyncset.done $0x0  }
0x1d: {  	[sflag:s9] =	ssyncadd.s32 $0xFFFFFC00  }
0x1e: {  	[tilespmem:s12], [sflag:$0x1] =	stream.indirect.gather [hbm4b:s1+s10], $0x80, s3, s10, $0xb8;
	[tilespmem:$0x10400] =	vst v63  }
0x1f: {  	_ = 	snop  }
0x20: {  	[tilespmem:s13], [sflag:$0x5] =	stream.indirect.gather [hbm4b:s2+s10], $0x80, s3, s10, $0xb8;
	[tilespmem:$0x10400] =	vst v63  }
0x21: {  	_ = 	snop  }
0x22: {  	[tilespmem:s11], [sflag:$0x2] =	stream.indirect.gather [hbm4b:s1+s10], $0x80, s10, s10, $0xb8;
	[tilespmem:$0x10400] =	vst v63  }
0x23: {  	_ = 	snop  }
0x24: {  	[tilespmem:s14], [sflag:$0x6] =	stream.indirect.gather [hbm4b:s2+s10], $0x80, s10, s10, $0xb8;
	[tilespmem:$0x10400] =	vst v63  }
0x25: {  	_ = 	snop  }
0x26: {  	[tilespmem:s15], [sflag:$0x3] =	stream.indirect.gather [hbm4b:s1+s10], $0x80, s6, s10, $0xb8;
	[tilespmem:$0x10400] =	vst v63  }
0x27: {  	_ = 	snop  }
0x28: {  	[tilespmem:s16], [sflag:$0x7] =	stream.indirect.gather [hbm4b:s2+s10], $0x80, s6, s10, $0xb8;
	[tilespmem:$0x10400] =	vst v63  }
0x29: {  	_ =	swait.ge [sflag:s17], $0x2000  }
0x2a: {  	[sflag:s17] =	ssyncset.done $0x0  }
0x2b: {  	[sflag:s17] =	ssyncadd.s32 $0xFFFFE000  }
0x2c: {  	_ =	swait.ge [sflag:s18], $0x2000  }
0x2d: {  	p0 =	por $0x1, $0x1;
	[sflag:s18] =	ssyncset.done $0x0  }
0x2e: {  	s5 =	simm.s32 @!p0 $0xC;
	[sflag:s18] =	ssyncadd.s32 $0xFFFFE000  }
0x2f: {  	_ =	swait.ge @!p0 [sflag:s5], $0x2000  }
0x30: {  	[sflag:s5] =	ssyncset.done @!p0 $0x0  }
0x31: {  	[sflag:s5] =	ssyncadd.s32 @!p0 $0xFFFFE000;
	s5 =	simm.s32 @!p0 $0x10  }
0x32: {  	_ =	swait.ge @!p0 [sflag:s5], $0x2000  }
0x33: {  	[sflag:s5] =	ssyncset.done @!p0 $0x0  }
0x34: {  	s6 =	simm.s32 $0xC0;
	[sflag:s5] =	ssyncadd.s32 @!p0 $0xFFFFE000  }
0x35: {  	[tilespmem:s19], [sflag:$0x4] =	stream.indirect.gather [hbm4b:s1+s10], $0x80, s6, s10, $0xb8;
	[tilespmem:$0x10400] =	vst v63  }
0x36: {  	s7 =	rddreg [dreg:$0x7]  }
0x37: {  	[tilespmem:s20], [sflag:$0x8] =	stream.indirect.gather [hbm4b:s2+s10], $0x80, s6, s10, $0xb8;
	[tilespmem:$0x10400] =	vst v63  }
0x38: {  	s8 =	rddreg [dreg:$0x6];
	s6 =	sadd.s32 $0x0, s7  }
0x39: {  	[hbm4b:s6+s3] =	stream.linear.scatter [tilespmem:s12], [sflag:$0x9], $0x2000, $0x38;
	[tilespmem:$0x10400] =	vst v63  }
0x3a: {  	s5 =	sadd.s32 $0x0, s8  }
0x3b: {  	[hbm4b:s5+s3] =	stream.linear.scatter [tilespmem:s13], [sflag:$0xD], $0x2000, $0x38;
	[tilespmem:$0x10400] =	vst v63  }
0x3c: {  	_ =	swait.ge [sflag:s21], $0x2000  }
0x3d: {  	[sflag:s21] =	ssyncset.done $0x0  }
0x3e: {  	[sflag:s21] =	ssyncadd.s32 $0xFFFFE000  }
0x3f: {  	_ =	swait.ge [sflag:s22], $0x2000  }
0x40: {  	[sflag:s22] =	ssyncset.done $0x0  }
0x41: {  	[sflag:s22] =	ssyncadd.s32 $0xFFFFE000  }
0x42: {  	_ =	swait.ge [sflag:s23], $0x2000  }
0x43: {  	[sflag:s23] =	ssyncset.done $0x0  }
0x44: {  	[sflag:s23] =	ssyncadd.s32 $0xFFFFE000  }
0x45: {  	p0 =	por $0x0, $0x0;
	_ =	swait.ge [sflag:s24], $0x2000  }
0x46: {  	s8 =	simm.s32 @!p0 $0x40;
	[sflag:s24] =	ssyncset.done $0x0  }
0x47: {  	s9 =	simm.s32 @!p0 $0x400;
	s7 =	simm.s32 @!p0 $0x100;
	[sflag:s24] =	ssyncadd.s32 $0xFFFFE000  }
0x48: {  	[tilespmem:s9], [sflag:$0x1] =	stream.indirect.gather @!p0 [hbm4b:s1+s8], $0x80, s7, s8, $0xb8;
	[tilespmem:$0x10400] =	vst v63  }
0x49: {  	s9 =	simm.s32 @!p0 $0x8400  }
0x4a: {  	[tilespmem:s9], [sflag:$0x5] =	stream.indirect.gather @!p0 [hbm4b:s2+s8], $0x80, s7, s8, $0xb8;
	[tilespmem:$0x10400] =	vst v63  }
0x4b: {  	s9 =	sadd.s32 $0x400, s6  }
0x4c: {  	[hbm4b:s9+s3] =	stream.linear.scatter [tilespmem:s11], [sflag:$0xA], $0x2000, $0x38;
	[tilespmem:$0x10400] =	vst v63  }
0x4d: {  	s11 =	sadd.s32 $0x400, s5  }
0x4e: {  	[hbm4b:s11+s3] =	stream.linear.scatter [tilespmem:s14], [sflag:$0xE], $0x2000, $0x38;
	[tilespmem:$0x10400] =	vst v63  }
0x4f: {  	_ =	swait.ge [sflag:s25], $0x2000  }
0x50: {  	[sflag:s25] =	ssyncset.done $0x0  }
0x51: {  	[sflag:s25] =	ssyncadd.s32 $0xFFFFE000  }
0x52: {  	_ =	swait.ge [sflag:s26], $0x2000  }
0x53: {  	[sflag:s26] =	ssyncset.done $0x0  }
0x54: {  	[sflag:s26] =	ssyncadd.s32 $0xFFFFE000  }
0x55: {  	_ =	swait.ge [sflag:s28], $0x2000  }
0x56: {  	[sflag:s28] =	ssyncset.done $0x0  }
0x57: {  	[sflag:s28] =	ssyncadd.s32 $0xFFFFE000  }
0x58: {  	_ =	swait.ge [sflag:s29], $0x2000  }
0x59: {  	[sflag:s29] =	ssyncset.done $0x0  }
0x5a: {  	s7 =	simm.s32 @!p0 $0x140;
	s9 =	simm.s32 @!p0 $0x2400;
	[sflag:s29] =	ssyncadd.s32 $0xFFFFE000  }
0x5b: {  	[tilespmem:s9], [sflag:$0x2] =	stream.indirect.gather @!p0 [hbm4b:s1+s8], $0x80, s7, s8, $0xb8;
	[tilespmem:$0x10400] =	vst v63  }
0x5c: {  	s9 =	simm.s32 @!p0 $0xA400  }
0x5d: {  	[tilespmem:s9], [sflag:$0x6] =	stream.indirect.gather @!p0 [hbm4b:s2+s8], $0x80, s7, s8, $0xb8;
	[tilespmem:$0x10400] =	vst v63  }
0x5e: {  	s14 =	sadd.s32 $0x800, s6  }
0x5f: {  	[hbm4b:s14+s3] =	stream.linear.scatter [tilespmem:s15], [sflag:$0xB], $0x2000, $0x38;
	[tilespmem:$0x10400] =	vst v63  }
0x60: {  	s15 =	sadd.s32 $0x800, s5  }
0x61: {  	[hbm4b:s15+s3] =	stream.linear.scatter [tilespmem:s16], [sflag:$0xF], $0x2000, $0x38;
	[tilespmem:$0x10400] =	vst v63  }
0x62: {  	_ =	swait.ge [sflag:s30], $0x2000  }
0x63: {  	[sflag:s30] =	ssyncset.done $0x0  }
0x64: {  	[sflag:s30] =	ssyncadd.s32 $0xFFFFE000  }
0x65: {  	_ =	swait.ge [sflag:s31], $0x2000  }
0x66: {  	[sflag:s31] =	ssyncset.done $0x0  }
0x67: {  	[sflag:s31] =	ssyncadd.s32 $0xFFFFE000  }
0x68: {  	_ =	swait.ge [sflag:s0], $0x2000  }
0x69: {  	[sflag:s0] =	ssyncset.done $0x0  }
0x6a: {  	[sflag:s0] =	ssyncadd.s32 $0xFFFFE000  }
0x6b: {  	_ =	swait.ge [sflag:s4], $0x2000  }
0x6c: {  	s6 =	sadd.s32 $0xC00, s6;
	[sflag:s4] =	ssyncset.done $0x0  }
0x6d: {  	s7 =	simm.s32 $0x180;
	s9 =	simm.s32 @!p0 $0x4400;
	[sflag:s4] =	ssyncadd.s32 $0xFFFFE000  }
0x6e: {  	[tilespmem:s9], [sflag:$0x3] =	stream.indirect.gather @!p0 [hbm4b:s1+s8], $0x80, s7, s8, $0xb8;
	[tilespmem:$0x10400] =	vst v63  }
0x6f: {  	s5 =	sadd.s32 $0xC00, s5;
	s14 =	simm.s32 $0x2400;
	s9 =	simm.s32 @!p0 $0xC400  }
0x70: {  	[tilespmem:s9], [sflag:$0x7] =	stream.indirect.gather @!p0 [hbm4b:s2+s8], $0x80, s7, s8, $0xb8;
	[tilespmem:$0x10400] =	vst v63  }
0x71: {  	s16 =	simm.s32 $0x4400;
	s15 =	simm.s32 $0xA400;
	s9 =	simm.s32 $0x1000  }
0x72: {  	[hbm4b:s6+s3] =	stream.linear.scatter [tilespmem:s19], [sflag:$0xC], $0x2000, $0x38;
	[tilespmem:$0x10400] =	vst v63  }
.LBB2_2:
0x73: {  	[hbm4b:s5+s3] =	stream.linear.scatter [tilespmem:s20], [sflag:$0x10], $0x2000, $0x38;
	[tilespmem:$0x10400] =	vst v63  }
0x74: {  	_ =	swait.ge [sflag:s17], $0x2000  }
0x75: {  	[sflag:s17] =	ssyncset.done $0x0  }
0x76: {  	[sflag:s17] =	ssyncadd.s32 $0xFFFFE000  }
0x77: {  	s6 =	smov.u32 s9;
	_ =	swait.ge [sflag:s18], $0x2000  }
0x78: {  	p1 =	seq.s32 s6, $0x0;
	[sflag:s18] =	ssyncset.done $0x0  }
0x79: {  	s5 =	simm.s32 @!p1 $0xC;
	[sflag:s18] =	ssyncadd.s32 $0xFFFFE000  }
0x7a: {  	_ =	swait.ge @!p1 [sflag:s5], $0x2000  }
0x7b: {  	[sflag:s5] =	ssyncset.done @!p1 $0x0  }
0x7c: {  	[sflag:s5] =	ssyncadd.s32 @!p1 $0xFFFFE000;
	s5 =	simm.s32 @!p1 $0x10  }
0x7d: {  	_ =	swait.ge @!p1 [sflag:s5], $0x2000  }
0x7e: {  	s7 =	sadd.s32 $0x100, s7;
	[sflag:s5] =	ssyncset.done @!p1 $0x0  }
0x7f: {  	[sflag:s5] =	ssyncadd.s32 @!p1 $0xFFFFE000;
	s5 =	sadd.s32 $0xFFFFFF40, s7  }
0x80: {  	[tilespmem:s19], [sflag:$0x4] =	stream.indirect.gather [hbm4b:s1+s10], $0x80, s5, s10, $0xb8;
	[tilespmem:$0x10400] =	vst v63  }
0x81: {  	s8 =	rddreg [dreg:$0x7]  }
0x82: {  	[tilespmem:s20], [sflag:$0x8] =	stream.indirect.gather [hbm4b:s2+s10], $0x80, s5, s10, $0xb8;
	[tilespmem:$0x10400] =	vst v63  }
0x83: {  	s11 =	rddreg [dreg:$0x6];
	s8 =	sadd.s32 s6, s8  }
0x84: {  	[hbm4b:s8+s3] =	stream.linear.scatter [tilespmem:s12], [sflag:$0x9], $0x2000, $0x38;
	[tilespmem:$0x10400] =	vst v63  }
0x85: {  	s5 =	sadd.s32 s6, s11  }
0x86: {  	[hbm4b:s5+s3] =	stream.linear.scatter [tilespmem:s13], [sflag:$0xD], $0x2000, $0x38;
	[tilespmem:$0x10400] =	vst v63  }
0x87: {  	_ =	swait.ge [sflag:s21], $0x2000  }
0x88: {  	[sflag:s21] =	ssyncset.done $0x0  }
0x89: {  	[sflag:s21] =	ssyncadd.s32 $0xFFFFE000  }
0x8a: {  	_ =	swait.ge [sflag:s22], $0x2000  }
0x8b: {  	[sflag:s22] =	ssyncset.done $0x0  }
0x8c: {  	[sflag:s22] =	ssyncadd.s32 $0xFFFFE000  }
0x8d: {  	_ =	swait.ge [sflag:s23], $0x2000  }
0x8e: {  	[sflag:s23] =	ssyncset.done $0x0  }
0x8f: {  	[sflag:s23] =	ssyncadd.s32 $0xFFFFE000  }
0x90: {  	p1 =	seq.s32 s6, $0x3000;
	_ =	swait.ge [sflag:s24], $0x2000  }
0x91: {  	s11 =	sadd.s32 @!p1 $0xFFFFFF80, s7;
	[sflag:s24] =	ssyncset.done $0x0  }
0x92: {  	s6 =	simm.s32 @!p1 $0x40;
	s12 =	simm.s32 @!p1 $0x400;
	[sflag:s24] =	ssyncadd.s32 $0xFFFFE000  }
0x93: {  	[tilespmem:s12], [sflag:$0x1] =	stream.indirect.gather @!p1 [hbm4b:s1+s6], $0x80, s11, s6, $0xb8;
	[tilespmem:$0x10400] =	vst v63  }
0x94: {  	s13 =	simm.s32 @!p1 $0x8400  }
0x95: {  	[tilespmem:s13], [sflag:$0x5] =	stream.indirect.gather @!p1 [hbm4b:s2+s6], $0x80, s11, s6, $0xb8;
	[tilespmem:$0x10400] =	vst v63  }
0x96: {  	s12 =	sadd.s32 $0x400, s8  }
0x97: {  	[hbm4b:s12+s3] =	stream.linear.scatter [tilespmem:s14], [sflag:$0xA], $0x2000, $0x38;
	[tilespmem:$0x10400] =	vst v63  }
0x98: {  	s13 =	sadd.s32 $0x400, s5  }
0x99: {  	[hbm4b:s13+s3] =	stream.linear.scatter [tilespmem:s15], [sflag:$0xE], $0x2000, $0x38;
	[tilespmem:$0x10400] =	vst v63  }
0x9a: {  	_ =	swait.ge [sflag:s25], $0x2000  }
0x9b: {  	[sflag:s25] =	ssyncset.done $0x0  }
0x9c: {  	[sflag:s25] =	ssyncadd.s32 $0xFFFFE000  }
0x9d: {  	_ =	swait.ge [sflag:s26], $0x2000  }
0x9e: {  	[sflag:s26] =	ssyncset.done $0x0  }
0x9f: {  	[sflag:s26] =	ssyncadd.s32 $0xFFFFE000  }
0xa0: {  	_ =	swait.ge [sflag:s28], $0x2000  }
0xa1: {  	[sflag:s28] =	ssyncset.done $0x0  }
0xa2: {  	[sflag:s28] =	ssyncadd.s32 $0xFFFFE000  }
0xa3: {  	_ =	swait.ge [sflag:s29], $0x2000  }
0xa4: {  	[sflag:s29] =	ssyncset.done $0x0  }
0xa5: {  	s11 =	sadd.s32 @!p1 $0xFFFFFFC0, s7;
	s12 =	simm.s32 @!p1 $0x2400;
	[sflag:s29] =	ssyncadd.s32 $0xFFFFE000  }
0xa6: {  	[tilespmem:s12], [sflag:$0x2] =	stream.indirect.gather @!p1 [hbm4b:s1+s6], $0x80, s11, s6, $0xb8;
	[tilespmem:$0x10400] =	vst v63  }
0xa7: {  	s13 =	simm.s32 @!p1 $0xA400  }
0xa8: {  	[tilespmem:s13], [sflag:$0x6] =	stream.indirect.gather @!p1 [hbm4b:s2+s6], $0x80, s11, s6, $0xb8;
	[tilespmem:$0x10400] =	vst v63  }
0xa9: {  	s12 =	sadd.s32 $0x800, s8  }
0xaa: {  	[hbm4b:s12+s3] =	stream.linear.scatter [tilespmem:s16], [sflag:$0xB], $0x2000, $0x38;
	[tilespmem:$0x10400] =	vst v63  }
0xab: {  	s11 =	sadd.s32 $0x800, s5;
	s12 =	simm.s32 $0xC400  }
0xac: {  	[hbm4b:s11+s3] =	stream.linear.scatter [tilespmem:s12], [sflag:$0xF], $0x2000, $0x38;
	[tilespmem:$0x10400] =	vst v63  }
0xad: {  	_ =	swait.ge [sflag:s30], $0x2000  }
0xae: {  	[sflag:s30] =	ssyncset.done $0x0  }
0xaf: {  	[sflag:s30] =	ssyncadd.s32 $0xFFFFE000  }
0xb0: {  	_ =	swait.ge [sflag:s31], $0x2000  }
0xb1: {  	[sflag:s31] =	ssyncset.done $0x0  }
0xb2: {  	[sflag:s31] =	ssyncadd.s32 $0xFFFFE000  }
0xb3: {  	_ =	swait.ge [sflag:s0], $0x2000  }
0xb4: {  	[sflag:s0] =	ssyncset.done $0x0  }
0xb5: {  	[sflag:s0] =	ssyncadd.s32 $0xFFFFE000  }
0xb6: {  	_ =	swait.ge [sflag:s4], $0x2000  }
0xb7: {  	s9 =	sadd.s32 $0x1000, s9;
	[sflag:s4] =	ssyncset.done $0x0  }
0xb8: {  	p0 =	sne.s32 s9, $0x4000;
	s11 =	simm.s32 @!p1 $0x4400;
	[sflag:s4] =	ssyncadd.s32 $0xFFFFE000  }
0xb9: {  	[tilespmem:s11], [sflag:$0x3] =	stream.indirect.gather @!p1 [hbm4b:s1+s6], $0x80, s7, s6, $0xb8;
	[tilespmem:$0x10400] =	vst v63  }
.Ltmp0:
0xba: {  	_ = 	snop;
	(pc) =	sbr.rel @p0 .LBB2_2-.Ltmp0, $4  }
0xbb: {  	s8 =	sadd.s32 $0xC00, s8;
	s12 =	simm.s32 @!p1 $0xC400  }
0xbc: {  	[tilespmem:s12], [sflag:$0x7] =	stream.indirect.gather @!p1 [hbm4b:s2+s6], $0x80, s7, s6, $0xb8;
	[tilespmem:$0x10400] =	vst v63  }
0xbd: {  	s13 =	simm.s32 $0x8400;
	s5 =	sadd.s32 $0xC00, s5;
	s12 =	simm.s32 $0x400  }
0xbe: {  	[hbm4b:s8+s3] =	stream.linear.scatter [tilespmem:s19], [sflag:$0xC], $0x2000, $0x38;
	[tilespmem:$0x10400] =	vst v63  }
0xbf: {  	[hbm4b:s5+s3] =	stream.linear.scatter [tilespmem:s20], [sflag:$0x10], $0x2000, $0x38;
	[tilespmem:$0x10400] =	vst v63  }
0xc0: {  	s15 =	simm.s32 $0xC  }
0xc1: {  	_ =	swait.ge [sflag:s15], $0x2000  }
0xc2: {  	[sflag:s15] =	ssyncset.done $0x0  }
0xc3: {  	s6 =	simm.s32 $0x10;
	[sflag:s15] =	ssyncadd.s32 $0xFFFFE000  }
0xc4: {  	_ =	swait.ge [sflag:s6], $0x2000  }
0xc5: {  	s7 =	rddreg [dreg:$0xa]  }
0xc6: {  	s16 =	rddreg [dreg:$0x9];
	s7 =	sadd.s32 $0x1, s7  }
0xc7: {  	p0 =	sne.s32 s7, s16  }
.Ltmp1:
0xc8: {  	_ = 	snop;
	(pc) =	sbr.rel @p0 .LBB2_1-.Ltmp1, $3  }
0xc9: {  	_ =	sdelay $0x1  }
0xca: {  	s11 =	simm.s32 $0x2400;
	s14 =	simm.s32 $0xA400;
	[sflag:s6] =	ssyncset.done $0x0  }
0xcb: {  	s15 =	simm.s32 $0x4400;
	[sflag:s6] =	ssyncadd.s32 $0xFFFFE000;
	s16 =	simm.s32 $0xC400  }
0xcc: {  	_ =	sfence.sel $0x180000  }
0xcd: {  	[bflag:$0x0] =	sbarrier.arrive $0xFFFF  }
0xce: {  	_ =	strace $0x90000047  }
0xcf: {  	s0 =	stileid.u32;
	[bflag:$0x2] =	sbarrier.arrive $0xFFFF  }
0xd0: {  	p0 =	sne.s32 s0, $0x0;
	s0 =	rddreg [dreg:$0x5]  }
0xd1: {  	s0 =	sadd.s32 @!p0 $0x100000, s0  }
0xd2: {  	[sflag:s0] =	ssyncadd.tile.s32 @!p0 $0x1;
	_ =	shalt  }
.Lfunc_end2:
_tile_overlayer_lowered:
.L_overlay_start_2:
0xd3: {  	(tag) =	ssettag $0x2  }
0xd4: {  	s0 =	rddreg [dreg:$0x0];
	s2 =	stileid.u32  }
0xd5: {  	s1 =	rddreg [dreg:$0x1];
	p0 =	sne.s32 s2, $0x0  }
0xd6: {  	s3 =	rddreg [dreg:$0x2];
	[bflag:$0x3] =	sbarrier.arrive $0xFFFF;
	s2 =	simm.s32 @!p0 $0x1C11  }
0xd7: {  	[timem:s3], [sflag:s2] =	dma.local @!p0 [hbm:s0], s1  }
0xd8: {  	s0 =	simm.s32 @!p0 $0x11  }
0xd9: {  	_ =	swait.ge @!p0 [sflag:s0], s1  }
0xda: {  	s1 =	ssub.s32 @!p0 $0x0, s1;
	[sflag:s0] =	ssyncset.done @!p0 $0x0  }
0xdb: {  	[sflag:s0] =	ssyncadd.s32 @!p0 s1  }
0xdc: {  	[bflag:$0x3] =	sbarrier.arrive $0xFFFF  }
0xdd: {  	_ =	shalt  }

</sc_bundles>
